<compile_context>
chip_gen: v7x
topology: tpu7x:2x2x1
jax: 0.10.2.dev20260603
libtpu: 0.0.44.dev20260713+nightly
codegen_flags: <defaults>
</compile_context>

<pallas_src>
import functools

import jax
import jax.numpy as jnp
from jax import lax
from jax.experimental import pallas as pl
from jax.experimental.pallas import tpu as pltpu
from jax.experimental.pallas import tpu_sc as plsc

_EPS = 1e-5
_NC = 2
_NS = 16


def _sc_segment_sums(src, dst, x, edge_attr):
    N, D = x.shape
    E = src.shape[0]
    DX = edge_attr.shape[1]
    NW = _NC * _NS
    CH = 125
    NCH = E // (NW * CH)
    RPT = -(-N // (_NS * CH)) * CH
    NP = RPT * _NS

    mesh = plsc.VectorSubcoreMesh(core_axis_name="c", subcore_axis_name="s")

    @functools.partial(
        pl.kernel,
        mesh=mesh,
        out_type=[
            jax.ShapeDtypeStruct((_NC, NP, D), jnp.float32),
            jax.ShapeDtypeStruct((_NC, NP, DX), jnp.float32),
        ],
        scratch_types=[
            pltpu.VMEM_SHARED((NP, D), jnp.float32),
            pltpu.VMEM_SHARED((NP, DX), jnp.float32),
            pltpu.VMEM((NCH, CH), jnp.int32),
            pltpu.VMEM((NCH, CH), jnp.int32),
            pltpu.VMEM((CH, D), jnp.float32),
            pltpu.VMEM((CH, DX), jnp.float32),
            pltpu.SemaphoreType.DMA,
        ],
        compiler_params=pltpu.CompilerParams(use_tc_tiling_on_sc=False),
    )
    def seg_kernel(src_h, dst_h, x_h, ext_h, zc1_h, zc2_h,
                   out1_h, out2_h,
                   acc1, acc2, src_v, dst_v, rows_v, ext_v, sem):
        c = lax.axis_index("c")
        s = lax.axis_index("s")
        wid = c * _NS + s

        pltpu.sync_copy(src_h.at[wid], src_v)
        pltpu.sync_copy(dst_h.at[wid], dst_v)
        pltpu.sync_copy(zc1_h, rows_v)
        pltpu.sync_copy(zc2_h, ext_v)

        r0 = s * RPT

        def cbody(k, carry):
            rr = r0 + k * CH
            pltpu.sync_copy(rows_v, acc1.at[pl.ds(rr, CH)])
            pltpu.sync_copy(ext_v, acc2.at[pl.ds(rr, CH)])
            return carry

        lax.fori_loop(0, RPT // CH, cbody, 0)
        plsc.subcore_barrier()

        def body(i, carry):
            pltpu.async_copy(x_h.at[src_v.at[i]], rows_v, sem).wait()
            pltpu.sync_copy(ext_h.at[wid * NCH + i], ext_v)
            pltpu.sync_copy(rows_v, acc1.at[dst_v.at[i]], add=True)
            pltpu.sync_copy(ext_v, acc2.at[dst_v.at[i]], add=True)
            return carry

        lax.fori_loop(0, NCH, body, 0)
        plsc.subcore_barrier()

        def wbody(k, carry):
            rr = r0 + k * CH
            pltpu.sync_copy(acc1.at[pl.ds(rr, CH)], rows_v)
            pltpu.sync_copy(rows_v, out1_h.at[c, pl.ds(rr, CH)])
            pltpu.sync_copy(acc2.at[pl.ds(rr, CH)], ext_v)
            pltpu.sync_copy(ext_v, out2_h.at[c, pl.ds(rr, CH)])
            return carry

        lax.fori_loop(0, RPT // CH, wbody, 0)

    zc1 = jnp.zeros((CH, D), jnp.float32)
    zc2 = jnp.zeros((CH, DX), jnp.float32)
    src3 = src.reshape(NW, NCH, CH)
    dst3 = dst.reshape(NW, NCH, CH)
    ext3 = edge_attr.reshape(NW * NCH, CH, DX)
    return seg_kernel(src3, dst3, x, ext3, zc1, zc2)


def _tc_stage1(A1, A2, W1, b1, Wbe, N, D, BL):
    NB = N // BL

    def body(a1_ref, a2_ref, w1_ref, wbe_ref, b1_ref, z1_ref, st_ref):
        i = pl.program_id(0)
        a1 = a1_ref[0] + a1_ref[1]
        a2 = a2_ref[0] + a2_ref[1]
        z = jnp.dot(a1, w1_ref[...], preferred_element_type=jnp.float32)
        z = z + jnp.dot(a2, wbe_ref[...], preferred_element_type=jnp.float32)
        z = z + b1_ref[...]
        r = jnp.maximum(z, 0.0)
        z1_ref[...] = r

        @pl.when(i == 0)
        def _():
            st_ref[...] = jnp.zeros_like(st_ref)

        st_ref[0:1, :] += jnp.sum(r, axis=0, keepdims=True)
        st_ref[1:2, :] += jnp.sum(r * r, axis=0, keepdims=True)

    DX = A2.shape[-1]
    return pl.pallas_call(
        body,
        grid=(NB,),
        in_specs=[
            pl.BlockSpec((2, BL, D), lambda i: (0, i, 0)),
            pl.BlockSpec((2, BL, DX), lambda i: (0, i, 0)),
            pl.BlockSpec((D, D), lambda i: (0, 0)),
            pl.BlockSpec((DX, D), lambda i: (0, 0)),
            pl.BlockSpec((1, D), lambda i: (0, 0)),
        ],
        out_specs=[
            pl.BlockSpec((BL, D), lambda i: (i, 0)),
            pl.BlockSpec((2, D), lambda i: (0, 0)),
        ],
        out_shape=[
            jax.ShapeDtypeStruct((N, D), jnp.float32),
            jax.ShapeDtypeStruct((2, D), jnp.float32),
        ],
    )(A1, A2, W1, Wbe, b1)


def _tc_stage2(z1, st1, x, W2, b2, g1, bb1, N, D, BL):
    NB = N // BL

    def body(z1_ref, st_ref, x_ref, w2_ref, b2_ref, g1_ref, bb1_ref,
             z2_ref, st2_ref):
        i = pl.program_id(0)
        mean = st_ref[0:1, :] * (1.0 / N)
        var = st_ref[1:2, :] * (1.0 / N) - mean * mean
        scale = g1_ref[...] * lax.rsqrt(var + _EPS)
        shift = bb1_ref[...] - mean * scale
        h = z1_ref[...] * scale + shift
        z = jnp.dot(h, w2_ref[...], preferred_element_type=jnp.float32)
        z = z + b2_ref[...] + x_ref[...]
        r = jnp.maximum(z, 0.0)
        z2_ref[...] = r

        @pl.when(i == 0)
        def _():
            st2_ref[...] = jnp.zeros_like(st2_ref)

        st2_ref[0:1, :] += jnp.sum(r, axis=0, keepdims=True)
        st2_ref[1:2, :] += jnp.sum(r * r, axis=0, keepdims=True)

    return pl.pallas_call(
        body,
        grid=(NB,),
        in_specs=[
            pl.BlockSpec((BL, D), lambda i: (i, 0)),
            pl.BlockSpec((2, D), lambda i: (0, 0)),
            pl.BlockSpec((BL, D), lambda i: (i, 0)),
            pl.BlockSpec((D, D), lambda i: (0, 0)),
            pl.BlockSpec((1, D), lambda i: (0, 0)),
            pl.BlockSpec((1, D), lambda i: (0, 0)),
            pl.BlockSpec((1, D), lambda i: (0, 0)),
        ],
        out_specs=[
            pl.BlockSpec((BL, D), lambda i: (i, 0)),
            pl.BlockSpec((2, D), lambda i: (0, 0)),
        ],
        out_shape=[
            jax.ShapeDtypeStruct((N, D), jnp.float32),
            jax.ShapeDtypeStruct((2, D), jnp.float32),
        ],
    )(z1, st1, x, W2, b2, g1, bb1)


def _tc_stage3(z2, st2, g2, bb2, N, D, BL):
    NB = N // BL

    def body(z2_ref, st_ref, g2_ref, bb2_ref, out_ref):
        mean = st_ref[0:1, :] * (1.0 / N)
        var = st_ref[1:2, :] * (1.0 / N) - mean * mean
        scale = g2_ref[...] * lax.rsqrt(var + _EPS)
        shift = bb2_ref[...] - mean * scale
        out_ref[...] = z2_ref[...] * scale + shift

    return pl.pallas_call(
        body,
        grid=(NB,),
        in_specs=[
            pl.BlockSpec((BL, D), lambda i: (i, 0)),
            pl.BlockSpec((2, D), lambda i: (0, 0)),
            pl.BlockSpec((1, D), lambda i: (0, 0)),
            pl.BlockSpec((1, D), lambda i: (0, 0)),
        ],
        out_specs=pl.BlockSpec((BL, D), lambda i: (i, 0)),
        out_shape=jax.ShapeDtypeStruct((N, D), jnp.float32),
    )(z2, st2, g2, bb2)


def kernel(x, edge_index, edge_attr, W_bond, b_bond, W1, b1, W2, b2,
           bn1_g, bn1_b, bn2_g, bn2_b):
    N, D = x.shape
    E = edge_attr.shape[0]
    DE = edge_attr.shape[1]

    src = edge_index[0]
    dst = edge_index[1]
    A1, A2 = _sc_segment_sums(src, dst, x, edge_attr)

    BL = 400
    z1, st1 = _tc_stage1(A1, A2, W1, b1[None, :], W_bond, N, D, BL)
    z2, st2 = _tc_stage2(z1, st1, x, W2, b2[None, :],
                         bn1_g[None, :], bn1_b[None, :], N, D, BL)
    return _tc_stage3(z2, st2, bn2_g[None, :], bn2_b[None, :], N, D, BL)

# --- scband reference (transcript-rebuilt; emitter-appended) ---
"""Pipeline reference for scband-structure2-vec-layer-41162966565589 (READ-ONLY COPY).

The authoritative reference and input builder live on the scoring server;
editing this copy changes nothing except your own understanding.
"""

import jax, jax.numpy as jnp
import numpy as np

N = 10000
E = 320000
D = 128
DE = 16


def setup_inputs(seed: int = 0) -> dict:
    key = jax.random.key(seed)
    ks = jax.random.split(key, 8)
    x = jax.random.normal(ks[0], (N, D), dtype=jnp.float32)
    edge_index = jax.random.randint(ks[1], (2, E), 0, N, dtype=jnp.int32)
    edge_attr = jax.random.normal(ks[2], (E, DE), dtype=jnp.float32)
    W_bond = jax.random.normal(ks[3], (DE, D), dtype=jnp.float32) / np.sqrt(DE)
    b_bond = jnp.zeros((D,), dtype=jnp.float32)
    W1 = jax.random.normal(ks[4], (D, D), dtype=jnp.float32) / np.sqrt(D)
    b1 = jnp.zeros((D,), dtype=jnp.float32)
    W2 = jax.random.normal(ks[5], (D, D), dtype=jnp.float32) / np.sqrt(D)
    b2 = jnp.zeros((D,), dtype=jnp.float32)
    bn1_g = jnp.ones((D,), dtype=jnp.float32)
    bn1_b = jnp.zeros((D,), dtype=jnp.float32)
    bn2_g = jnp.ones((D,), dtype=jnp.float32)
    bn2_b = jnp.zeros((D,), dtype=jnp.float32)
    return {"x": x, "edge_index": edge_index, "edge_attr": edge_attr,
            "W_bond": W_bond, "b_bond": b_bond, "W1": W1, "b1": b1,
            "W2": W2, "b2": b2, "bn1_g": bn1_g, "bn1_b": bn1_b,
            "bn2_g": bn2_g, "bn2_b": bn2_b}


def _batch_norm(z, gamma, beta, eps=1e-5):
    mean = jnp.mean(z, axis=0)
    var = jnp.var(z, axis=0)
    return (z - mean) / jnp.sqrt(var + eps) * gamma + beta


def reference(x, edge_index, edge_attr, W_bond, b_bond, W1, b1, W2, b2,
              bn1_g, bn1_b, bn2_g, bn2_b):
    src = edge_index[0]
    dst = edge_index[1]
    # bond_layer on edge features
    eh = edge_attr @ W_bond + b_bond
    # message passing: sum of src node features and sum of edge embeddings per dst node
    h1 = jax.ops.segment_sum(x[src], dst, num_segments=N)
    h2 = jax.ops.segment_sum(eh, dst, num_segments=N)
    h = _batch_norm(jax.nn.relu(h1 @ W1 + b1 + h2), bn1_g, bn1_b)
    h = _batch_norm(jax.nn.relu(h @ W2 + b2 + x), bn2_g, bn2_b)
    return h

if __name__ == "__main__":
    import jax
    _d = setup_inputs()
    print(jax.jit(kernel)(*tuple(_d.values())))

</pallas_src>

<mosaic_0001>
#map = affine_map<(d0, d1) -> (0, 0, 0)>
#map1 = affine_map<(d0, d1) -> (0, 0)>
module attributes {stable_mosaic.version = 14 : i64} {
  func.func @seg_kernel(%arg0: i32, %arg1: i32, %arg2: memref<32x80x125xi32, #tpu.memory_space<hbm>>, %arg3: memref<32x80x125xi32, #tpu.memory_space<hbm>>, %arg4: memref<10000x128xf32, #tpu.memory_space<hbm>>, %arg5: memref<2560x125x16xf32, #tpu.memory_space<hbm>>, %arg6: memref<125x128xf32, #tpu.memory_space<hbm>>, %arg7: memref<125x16xf32, #tpu.memory_space<hbm>>, %arg8: memref<2x10000x128xf32, #tpu.memory_space<hbm>>, %arg9: memref<2x10000x16xf32, #tpu.memory_space<hbm>>, %arg10: memref<10000x128xf32, #tpu.memory_space<vmem_shared>>, %arg11: memref<10000x16xf32, #tpu.memory_space<vmem_shared>>, %arg12: memref<80x125xi32, #tpu.memory_space<vmem>>, %arg13: memref<80x125xi32, #tpu.memory_space<vmem>>, %arg14: memref<125x128xf32, #tpu.memory_space<vmem>>, %arg15: memref<125x16xf32, #tpu.memory_space<vmem>>, %arg16: memref<!tpu.dma_semaphore, #tpu.memory_space<semaphore_mem>>) attributes {dimension_semantics = [#tpu.dimension_semantics<core_parallel>, #tpu.dimension_semantics<subcore_parallel>], iteration_bounds = array<i64: 2, 16>, scalar_prefetch = 0 : i64, scratch_operands = 7 : i64, tpu.core_type = #tpu.core_type<sc_vector_subcore>, window_params = [{transform_indices = #map}, {transform_indices = #map}, {transform_indices = #map1}, {transform_indices = #map}, {transform_indices = #map1}, {transform_indices = #map1}, {transform_indices = #map}, {transform_indices = #map}]} {
    %mul3A = arith.constant 16 : i32
    %mul3A_0 = arith.muli %arg0, %mul3A : i32
    %add3A = arith.addi %mul3A_0, %arg1 : i32
    "tpu.region"() ({
      %run_scoped3A = tpu.sem_alloc : memref<!tpu.dma_semaphore, #tpu.memory_space<semaphore_mem>>
      %dma_start3A = arith.constant 0 : i32
      %dma_start3A_21 = arith.constant 0 : i32
      %dma_start3A_22 = tpu.memref_slice %arg2[%add3A, %dma_start3A, %dma_start3A_21] : memref<32x80x125xi32, #tpu.memory_space<hbm>> -> memref<1x80x125xi32, #tpu.memory_space<hbm>>
      %dma_start3A_23 = tpu.memref_squeeze %dma_start3A_22 : memref<1x80x125xi32, #tpu.memory_space<hbm>> -> memref<80x125xi32, #tpu.memory_space<hbm>>
      %dma_start3A_24 = arith.constant 0 : i32
      %dma_start3A_25 = arith.constant 0 : i32
      %dma_start3A_26 = tpu.memref_slice %arg2[%add3A, %dma_start3A_24, %dma_start3A_25] : memref<32x80x125xi32, #tpu.memory_space<hbm>> -> memref<1x80x125xi32, #tpu.memory_space<hbm>>
      %dma_start3A_27 = tpu.memref_squeeze %dma_start3A_26 : memref<1x80x125xi32, #tpu.memory_space<hbm>> -> memref<80x125xi32, #tpu.memory_space<hbm>>
      tpu.enqueue_dma source(%dma_start3A_27 : memref<80x125xi32, #tpu.memory_space<hbm>>) target(%arg12 : memref<80x125xi32, #tpu.memory_space<vmem>>) target_semaphore(%run_scoped3A : memref<!tpu.dma_semaphore, #tpu.memory_space<semaphore_mem>>)
      %dma_wait3A = arith.constant 0 : i32
      %dma_wait3A_28 = arith.constant 0 : i32
      %dma_wait3A_29 = tpu.memref_slice %arg2[%add3A, %dma_wait3A, %dma_wait3A_28] : memref<32x80x125xi32, #tpu.memory_space<hbm>> -> memref<1x80x125xi32, #tpu.memory_space<hbm>>
      %dma_wait3A_30 = tpu.memref_squeeze %dma_wait3A_29 : memref<1x80x125xi32, #tpu.memory_space<hbm>> -> memref<80x125xi32, #tpu.memory_space<hbm>>
      %dma_wait3A_31 = arith.constant 0 : i32
      %dma_wait3A_32 = arith.constant 0 : i32
      %dma_wait3A_33 = tpu.memref_slice %arg2[%add3A, %dma_wait3A_31, %dma_wait3A_32] : memref<32x80x125xi32, #tpu.memory_space<hbm>> -> memref<1x80x125xi32, #tpu.memory_space<hbm>>
      %dma_wait3A_34 = tpu.memref_squeeze %dma_wait3A_33 : memref<1x80x125xi32, #tpu.memory_space<hbm>> -> memref<80x125xi32, #tpu.memory_space<hbm>>
      tpu.wait_dma2 semaphore(%run_scoped3A : memref<!tpu.dma_semaphore, #tpu.memory_space<semaphore_mem>>) src(%dma_wait3A_34 : memref<80x125xi32, #tpu.memory_space<hbm>>) dst(%arg12 : memref<80x125xi32, #tpu.memory_space<vmem>>)
      tpu.yield
    }) : () -> ()
    "tpu.region"() ({
      %run_scoped3A = tpu.sem_alloc : memref<!tpu.dma_semaphore, #tpu.memory_space<semaphore_mem>>
      %dma_start3A = arith.constant 0 : i32
      %dma_start3A_21 = arith.constant 0 : i32
      %dma_start3A_22 = tpu.memref_slice %arg3[%add3A, %dma_start3A, %dma_start3A_21] : memref<32x80x125xi32, #tpu.memory_space<hbm>> -> memref<1x80x125xi32, #tpu.memory_space<hbm>>
      %dma_start3A_23 = tpu.memref_squeeze %dma_start3A_22 : memref<1x80x125xi32, #tpu.memory_space<hbm>> -> memref<80x125xi32, #tpu.memory_space<hbm>>
      %dma_start3A_24 = arith.constant 0 : i32
      %dma_start3A_25 = arith.constant 0 : i32
      %dma_start3A_26 = tpu.memref_slice %arg3[%add3A, %dma_start3A_24, %dma_start3A_25] : memref<32x80x125xi32, #tpu.memory_space<hbm>> -> memref<1x80x125xi32, #tpu.memory_space<hbm>>
      %dma_start3A_27 = tpu.memref_squeeze %dma_start3A_26 : memref<1x80x125xi32, #tpu.memory_space<hbm>> -> memref<80x125xi32, #tpu.memory_space<hbm>>
      tpu.enqueue_dma source(%dma_start3A_27 : memref<80x125xi32, #tpu.memory_space<hbm>>) target(%arg13 : memref<80x125xi32, #tpu.memory_space<vmem>>) target_semaphore(%run_scoped3A : memref<!tpu.dma_semaphore, #tpu.memory_space<semaphore_mem>>)
      %dma_wait3A = arith.constant 0 : i32
      %dma_wait3A_28 = arith.constant 0 : i32
      %dma_wait3A_29 = tpu.memref_slice %arg3[%add3A, %dma_wait3A, %dma_wait3A_28] : memref<32x80x125xi32, #tpu.memory_space<hbm>> -> memref<1x80x125xi32, #tpu.memory_space<hbm>>
      %dma_wait3A_30 = tpu.memref_squeeze %dma_wait3A_29 : memref<1x80x125xi32, #tpu.memory_space<hbm>> -> memref<80x125xi32, #tpu.memory_space<hbm>>
      %dma_wait3A_31 = arith.constant 0 : i32
      %dma_wait3A_32 = arith.constant 0 : i32
      %dma_wait3A_33 = tpu.memref_slice %arg3[%add3A, %dma_wait3A_31, %dma_wait3A_32] : memref<32x80x125xi32, #tpu.memory_space<hbm>> -> memref<1x80x125xi32, #tpu.memory_space<hbm>>
      %dma_wait3A_34 = tpu.memref_squeeze %dma_wait3A_33 : memref<1x80x125xi32, #tpu.memory_space<hbm>> -> memref<80x125xi32, #tpu.memory_space<hbm>>
      tpu.wait_dma2 semaphore(%run_scoped3A : memref<!tpu.dma_semaphore, #tpu.memory_space<semaphore_mem>>) src(%dma_wait3A_34 : memref<80x125xi32, #tpu.memory_space<hbm>>) dst(%arg13 : memref<80x125xi32, #tpu.memory_space<vmem>>)
      tpu.yield
    }) : () -> ()
    "tpu.region"() ({
      %run_scoped3A = tpu.sem_alloc : memref<!tpu.dma_semaphore, #tpu.memory_space<semaphore_mem>>
      tpu.enqueue_dma source(%arg6 : memref<125x128xf32, #tpu.memory_space<hbm>>) target(%arg14 : memref<125x128xf32, #tpu.memory_space<vmem>>) target_semaphore(%run_scoped3A : memref<!tpu.dma_semaphore, #tpu.memory_space<semaphore_mem>>)
      tpu.wait_dma2 semaphore(%run_scoped3A : memref<!tpu.dma_semaphore, #tpu.memory_space<semaphore_mem>>) src(%arg6 : memref<125x128xf32, #tpu.memory_space<hbm>>) dst(%arg14 : memref<125x128xf32, #tpu.memory_space<vmem>>)
      tpu.yield
    }) : () -> ()
    "tpu.region"() ({
      %run_scoped3A = tpu.sem_alloc : memref<!tpu.dma_semaphore, #tpu.memory_space<semaphore_mem>>
      tpu.enqueue_dma source(%arg7 : memref<125x16xf32, #tpu.memory_space<hbm>>) target(%arg15 : memref<125x16xf32, #tpu.memory_space<vmem>>) target_semaphore(%run_scoped3A : memref<!tpu.dma_semaphore, #tpu.memory_space<semaphore_mem>>)
      tpu.wait_dma2 semaphore(%run_scoped3A : memref<!tpu.dma_semaphore, #tpu.memory_space<semaphore_mem>>) src(%arg7 : memref<125x16xf32, #tpu.memory_space<hbm>>) dst(%arg15 : memref<125x16xf32, #tpu.memory_space<vmem>>)
      tpu.yield
    }) : () -> ()
    %mul3A_1 = arith.constant 625 : i32
    %mul3A_2 = arith.muli %arg1, %mul3A_1 : i32
    %scan3A = arith.constant 0 : i32
    %scan3A_3 = arith.constant 0 : i32
    %scan3A_4 = arith.constant 5 : i32
    %scan3A_5 = arith.addi %scan3A_3, %scan3A_4 : i32
    %scan3A_6 = arith.constant 1 : i32
    scf.for %scan3A_21 = %scan3A_3 to %scan3A_5 step %scan3A_6  : i32 {
      %mul3A_22 = arith.constant 125 : i32
      %mul3A_23 = arith.muli %scan3A_21, %mul3A_22 : i32
      %add3A_24 = arith.addi %mul3A_2, %mul3A_23 : i32
      "tpu.region"() ({
        %run_scoped3A = tpu.sem_alloc : memref<!tpu.dma_semaphore, #tpu.memory_space<semaphore_mem>>
        %dma_start3A = arith.constant 0 : i32
        %dma_start3A_25 = tpu.memref_slice %arg10[%add3A_24, %dma_start3A] : memref<10000x128xf32, #tpu.memory_space<vmem_shared>> -> memref<125x128xf32, #tpu.memory_space<vmem_shared>>
        %dma_start3A_26 = arith.constant 0 : i32
        %dma_start3A_27 = tpu.memref_slice %arg10[%add3A_24, %dma_start3A_26] : memref<10000x128xf32, #tpu.memory_space<vmem_shared>> -> memref<125x128xf32, #tpu.memory_space<vmem_shared>>
        tpu.enqueue_dma source(%arg14 : memref<125x128xf32, #tpu.memory_space<vmem>>) target(%dma_start3A_27 : memref<125x128xf32, #tpu.memory_space<vmem_shared>>) target_semaphore(%run_scoped3A : memref<!tpu.dma_semaphore, #tpu.memory_space<semaphore_mem>>)
        %dma_wait3A = arith.constant 0 : i32
        %dma_wait3A_28 = tpu.memref_slice %arg10[%add3A_24, %dma_wait3A] : memref<10000x128xf32, #tpu.memory_space<vmem_shared>> -> memref<125x128xf32, #tpu.memory_space<vmem_shared>>
        %dma_wait3A_29 = arith.constant 0 : i32
        %dma_wait3A_30 = tpu.memref_slice %arg10[%add3A_24, %dma_wait3A_29] : memref<10000x128xf32, #tpu.memory_space<vmem_shared>> -> memref<125x128xf32, #tpu.memory_space<vmem_shared>>
        tpu.wait_dma2 semaphore(%run_scoped3A : memref<!tpu.dma_semaphore, #tpu.memory_space<semaphore_mem>>) src(%arg14 : memref<125x128xf32, #tpu.memory_space<vmem>>) dst(%dma_wait3A_30 : memref<125x128xf32, #tpu.memory_space<vmem_shared>>)
        tpu.yield
      }) : () -> ()
      "tpu.region"() ({
        %run_scoped3A = tpu.sem_alloc : memref<!tpu.dma_semaphore, #tpu.memory_space<semaphore_mem>>
        %dma_start3A = arith.constant 0 : i32
        %dma_start3A_25 = tpu.memref_slice %arg11[%add3A_24, %dma_start3A] : memref<10000x16xf32, #tpu.memory_space<vmem_shared>> -> memref<125x16xf32, #tpu.memory_space<vmem_shared>>
        %dma_start3A_26 = arith.constant 0 : i32
        %dma_start3A_27 = tpu.memref_slice %arg11[%add3A_24, %dma_start3A_26] : memref<10000x16xf32, #tpu.memory_space<vmem_shared>> -> memref<125x16xf32, #tpu.memory_space<vmem_shared>>
        tpu.enqueue_dma source(%arg15 : memref<125x16xf32, #tpu.memory_space<vmem>>) target(%dma_start3A_27 : memref<125x16xf32, #tpu.memory_space<vmem_shared>>) target_semaphore(%run_scoped3A : memref<!tpu.dma_semaphore, #tpu.memory_space<semaphore_mem>>)
        %dma_wait3A = arith.constant 0 : i32
        %dma_wait3A_28 = tpu.memref_slice %arg11[%add3A_24, %dma_wait3A] : memref<10000x16xf32, #tpu.memory_space<vmem_shared>> -> memref<125x16xf32, #tpu.memory_space<vmem_shared>>
        %dma_wait3A_29 = arith.constant 0 : i32
        %dma_wait3A_30 = tpu.memref_slice %arg11[%add3A_24, %dma_wait3A_29] : memref<10000x16xf32, #tpu.memory_space<vmem_shared>> -> memref<125x16xf32, #tpu.memory_space<vmem_shared>>
        tpu.wait_dma2 semaphore(%run_scoped3A : memref<!tpu.dma_semaphore, #tpu.memory_space<semaphore_mem>>) src(%arg15 : memref<125x16xf32, #tpu.memory_space<vmem>>) dst(%dma_wait3A_30 : memref<125x16xf32, #tpu.memory_space<vmem_shared>>)
        tpu.yield
      }) : () -> ()
    }
    %scan3A_7 = arith.constant 5 : i32
    %barrier3A = arith.constant 0 : index
    tpu.barrier barrier_id(%barrier3A)
    %scan3A_8 = arith.constant 0 : i32
    %scan3A_9 = arith.constant 0 : i32
    %scan3A_10 = arith.constant 80 : i32
    %scan3A_11 = arith.addi %scan3A_9, %scan3A_10 : i32
    %scan3A_12 = arith.constant 1 : i32
    scf.for %scan3A_21 = %scan3A_9 to %scan3A_11 step %scan3A_12  : i32 {
      %dma_start3A = arith.constant 0 : i32
      %dma_start3A_22 = tpu.memref_slice %arg12[%scan3A_21, %dma_start3A] : memref<80x125xi32, #tpu.memory_space<vmem>> -> memref<1x125xi32, #tpu.memory_space<vmem>>
      %dma_start3A_23 = tpu.memref_squeeze %dma_start3A_22 : memref<1x125xi32, #tpu.memory_space<vmem>> -> memref<125xi32, #tpu.memory_space<vmem>>
      %dma_start3A_24 = arith.constant 0 : i32
      %dma_start3A_25 = arith.constant 0 : i32
      %dma_start3A_26 = tpu.memref_slice %arg4[%dma_start3A_24, %dma_start3A_25] : memref<10000x128xf32, #tpu.memory_space<hbm>> -> memref<10000x128xf32, #tpu.memory_space<hbm>>
      tpu.enqueue_indirect_dma source(%dma_start3A_26 : memref<10000x128xf32, #tpu.memory_space<hbm>>) target(%arg14 : memref<125x128xf32, #tpu.memory_space<vmem>>) offsets(%dma_start3A_23 : memref<125xi32, #tpu.memory_space<vmem>>) semaphore(%arg16 : memref<!tpu.dma_semaphore, #tpu.memory_space<semaphore_mem>>)
      %dma_wait3A = arith.constant 0 : i32
      %dma_wait3A_27 = tpu.memref_slice %arg12[%scan3A_21, %dma_wait3A] : memref<80x125xi32, #tpu.memory_space<vmem>> -> memref<1x125xi32, #tpu.memory_space<vmem>>
      %dma_wait3A_28 = tpu.memref_squeeze %dma_wait3A_27 : memref<1x125xi32, #tpu.memory_space<vmem>> -> memref<125xi32, #tpu.memory_space<vmem>>
      %dma_wait3A_29 = arith.constant 0 : i32
      %dma_wait3A_30 = arith.constant 0 : i32
      %dma_wait3A_31 = tpu.memref_slice %arg4[%dma_wait3A_29, %dma_wait3A_30] : memref<10000x128xf32, #tpu.memory_space<hbm>> -> memref<10000x128xf32, #tpu.memory_space<hbm>>
      tpu.wait_indirect_dma semaphore(%arg16 : memref<!tpu.dma_semaphore, #tpu.memory_space<semaphore_mem>>) src(%dma_wait3A_31 : memref<10000x128xf32, #tpu.memory_space<hbm>>) dst(%arg14 : memref<125x128xf32, #tpu.memory_space<vmem>>)
      %mul3A_32 = arith.constant 80 : i32
      %mul3A_33 = arith.muli %add3A, %mul3A_32 : i32
      %add3A_34 = arith.addi %mul3A_33, %scan3A_21 : i32
      "tpu.region"() ({
        %run_scoped3A = tpu.sem_alloc : memref<!tpu.dma_semaphore, #tpu.memory_space<semaphore_mem>>
        %dma_start3A_35 = arith.constant 0 : i32
        %dma_start3A_36 = arith.constant 0 : i32
        %dma_start3A_37 = tpu.memref_slice %arg5[%add3A_34, %dma_start3A_35, %dma_start3A_36] : memref<2560x125x16xf32, #tpu.memory_space<hbm>> -> memref<1x125x16xf32, #tpu.memory_space<hbm>>
        %dma_start3A_38 = tpu.memref_squeeze %dma_start3A_37 : memref<1x125x16xf32, #tpu.memory_space<hbm>> -> memref<125x16xf32, #tpu.memory_space<hbm>>
        %dma_start3A_39 = arith.constant 0 : i32
        %dma_start3A_40 = arith.constant 0 : i32
        %dma_start3A_41 = tpu.memref_slice %arg5[%add3A_34, %dma_start3A_39, %dma_start3A_40] : memref<2560x125x16xf32, #tpu.memory_space<hbm>> -> memref<1x125x16xf32, #tpu.memory_space<hbm>>
        %dma_start3A_42 = tpu.memref_squeeze %dma_start3A_41 : memref<1x125x16xf32, #tpu.memory_space<hbm>> -> memref<125x16xf32, #tpu.memory_space<hbm>>
        tpu.enqueue_dma source(%dma_start3A_42 : memref<125x16xf32, #tpu.memory_space<hbm>>) target(%arg15 : memref<125x16xf32, #tpu.memory_space<vmem>>) target_semaphore(%run_scoped3A : memref<!tpu.dma_semaphore, #tpu.memory_space<semaphore_mem>>)
        %dma_wait3A_43 = arith.constant 0 : i32
        %dma_wait3A_44 = arith.constant 0 : i32
        %dma_wait3A_45 = tpu.memref_slice %arg5[%add3A_34, %dma_wait3A_43, %dma_wait3A_44] : memref<2560x125x16xf32, #tpu.memory_space<hbm>> -> memref<1x125x16xf32, #tpu.memory_space<hbm>>
        %dma_wait3A_46 = tpu.memref_squeeze %dma_wait3A_45 : memref<1x125x16xf32, #tpu.memory_space<hbm>> -> memref<125x16xf32, #tpu.memory_space<hbm>>
        %dma_wait3A_47 = arith.constant 0 : i32
        %dma_wait3A_48 = arith.constant 0 : i32
        %dma_wait3A_49 = tpu.memref_slice %arg5[%add3A_34, %dma_wait3A_47, %dma_wait3A_48] : memref<2560x125x16xf32, #tpu.memory_space<hbm>> -> memref<1x125x16xf32, #tpu.memory_space<hbm>>
        %dma_wait3A_50 = tpu.memref_squeeze %dma_wait3A_49 : memref<1x125x16xf32, #tpu.memory_space<hbm>> -> memref<125x16xf32, #tpu.memory_space<hbm>>
        tpu.wait_dma2 semaphore(%run_scoped3A : memref<!tpu.dma_semaphore, #tpu.memory_space<semaphore_mem>>) src(%dma_wait3A_50 : memref<125x16xf32, #tpu.memory_space<hbm>>) dst(%arg15 : memref<125x16xf32, #tpu.memory_space<vmem>>)
        tpu.yield
      }) : () -> ()
      "tpu.region"() ({
        %run_scoped3A = tpu.sem_alloc : memref<!tpu.dma_semaphore, #tpu.memory_space<semaphore_mem>>
        %dma_start3A_35 = arith.constant 0 : i32
        %dma_start3A_36 = tpu.memref_slice %arg13[%scan3A_21, %dma_start3A_35] : memref<80x125xi32, #tpu.memory_space<vmem>> -> memref<1x125xi32, #tpu.memory_space<vmem>>
        %dma_start3A_37 = tpu.memref_squeeze %dma_start3A_36 : memref<1x125xi32, #tpu.memory_space<vmem>> -> memref<125xi32, #tpu.memory_space<vmem>>
        %dma_start3A_38 = arith.constant 0 : i32
        %dma_start3A_39 = arith.constant 0 : i32
        %dma_start3A_40 = tpu.memref_slice %arg10[%dma_start3A_38, %dma_start3A_39] : memref<10000x128xf32, #tpu.memory_space<vmem_shared>> -> memref<10000x128xf32, #tpu.memory_space<vmem_shared>>
        tpu.enqueue_indirect_dma source(%arg14 : memref<125x128xf32, #tpu.memory_space<vmem>>) target(%dma_start3A_40 : memref<10000x128xf32, #tpu.memory_space<vmem_shared>>) offsets(%dma_start3A_37 : memref<125xi32, #tpu.memory_space<vmem>>) semaphore(%run_scoped3A : memref<!tpu.dma_semaphore, #tpu.memory_space<semaphore_mem>>) {add = true}
        %dma_wait3A_41 = arith.constant 0 : i32
        %dma_wait3A_42 = tpu.memref_slice %arg13[%scan3A_21, %dma_wait3A_41] : memref<80x125xi32, #tpu.memory_space<vmem>> -> memref<1x125xi32, #tpu.memory_space<vmem>>
        %dma_wait3A_43 = tpu.memref_squeeze %dma_wait3A_42 : memref<1x125xi32, #tpu.memory_space<vmem>> -> memref<125xi32, #tpu.memory_space<vmem>>
        %dma_wait3A_44 = arith.constant 0 : i32
        %dma_wait3A_45 = arith.constant 0 : i32
        %dma_wait3A_46 = tpu.memref_slice %arg10[%dma_wait3A_44, %dma_wait3A_45] : memref<10000x128xf32, #tpu.memory_space<vmem_shared>> -> memref<10000x128xf32, #tpu.memory_space<vmem_shared>>
        tpu.wait_indirect_dma semaphore(%run_scoped3A : memref<!tpu.dma_semaphore, #tpu.memory_space<semaphore_mem>>) src(%arg14 : memref<125x128xf32, #tpu.memory_space<vmem>>) dst(%dma_wait3A_46 : memref<10000x128xf32, #tpu.memory_space<vmem_shared>>)
        tpu.yield
      }) : () -> ()
      "tpu.region"() ({
        %run_scoped3A = tpu.sem_alloc : memref<!tpu.dma_semaphore, #tpu.memory_space<semaphore_mem>>
        %dma_start3A_35 = arith.constant 0 : i32
        %dma_start3A_36 = tpu.memref_slice %arg13[%scan3A_21, %dma_start3A_35] : memref<80x125xi32, #tpu.memory_space<vmem>> -> memref<1x125xi32, #tpu.memory_space<vmem>>
        %dma_start3A_37 = tpu.memref_squeeze %dma_start3A_36 : memref<1x125xi32, #tpu.memory_space<vmem>> -> memref<125xi32, #tpu.memory_space<vmem>>
        %dma_start3A_38 = arith.constant 0 : i32
        %dma_start3A_39 = arith.constant 0 : i32
        %dma_start3A_40 = tpu.memref_slice %arg11[%dma_start3A_38, %dma_start3A_39] : memref<10000x16xf32, #tpu.memory_space<vmem_shared>> -> memref<10000x16xf32, #tpu.memory_space<vmem_shared>>
        tpu.enqueue_indirect_dma source(%arg15 : memref<125x16xf32, #tpu.memory_space<vmem>>) target(%dma_start3A_40 : memref<10000x16xf32, #tpu.memory_space<vmem_shared>>) offsets(%dma_start3A_37 : memref<125xi32, #tpu.memory_space<vmem>>) semaphore(%run_scoped3A : memref<!tpu.dma_semaphore, #tpu.memory_space<semaphore_mem>>) {add = true}
        %dma_wait3A_41 = arith.constant 0 : i32
        %dma_wait3A_42 = tpu.memref_slice %arg13[%scan3A_21, %dma_wait3A_41] : memref<80x125xi32, #tpu.memory_space<vmem>> -> memref<1x125xi32, #tpu.memory_space<vmem>>
        %dma_wait3A_43 = tpu.memref_squeeze %dma_wait3A_42 : memref<1x125xi32, #tpu.memory_space<vmem>> -> memref<125xi32, #tpu.memory_space<vmem>>
        %dma_wait3A_44 = arith.constant 0 : i32
        %dma_wait3A_45 = arith.constant 0 : i32
        %dma_wait3A_46 = tpu.memref_slice %arg11[%dma_wait3A_44, %dma_wait3A_45] : memref<10000x16xf32, #tpu.memory_space<vmem_shared>> -> memref<10000x16xf32, #tpu.memory_space<vmem_shared>>
        tpu.wait_indirect_dma semaphore(%run_scoped3A : memref<!tpu.dma_semaphore, #tpu.memory_space<semaphore_mem>>) src(%arg15 : memref<125x16xf32, #tpu.memory_space<vmem>>) dst(%dma_wait3A_46 : memref<10000x16xf32, #tpu.memory_space<vmem_shared>>)
        tpu.yield
      }) : () -> ()
    }
    %scan3A_13 = arith.constant 80 : i32
    %barrier3A_14 = arith.constant 0 : index
    tpu.barrier barrier_id(%barrier3A_14)
    %scan3A_15 = arith.constant 0 : i32
    %scan3A_16 = arith.constant 0 : i32
    %scan3A_17 = arith.constant 5 : i32
    %scan3A_18 = arith.addi %scan3A_16, %scan3A_17 : i32
    %scan3A_19 = arith.constant 1 : i32
    scf.for %scan3A_21 = %scan3A_16 to %scan3A_18 step %scan3A_19  : i32 {
      %mul3A_22 = arith.constant 125 : i32
      %mul3A_23 = arith.muli %scan3A_21, %mul3A_22 : i32
      %add3A_24 = arith.addi %mul3A_2, %mul3A_23 : i32
      "tpu.region"() ({
        %run_scoped3A = tpu.sem_alloc : memref<!tpu.dma_semaphore, #tpu.memory_space<semaphore_mem>>
        %dma_start3A = arith.constant 0 : i32
        %dma_start3A_25 = tpu.memref_slice %arg10[%add3A_24, %dma_start3A] : memref<10000x128xf32, #tpu.memory_space<vmem_shared>> -> memref<125x128xf32, #tpu.memory_space<vmem_shared>>
        %dma_start3A_26 = arith.constant 0 : i32
        %dma_start3A_27 = tpu.memref_slice %arg10[%add3A_24, %dma_start3A_26] : memref<10000x128xf32, #tpu.memory_space<vmem_shared>> -> memref<125x128xf32, #tpu.memory_space<vmem_shared>>
        tpu.enqueue_dma source(%dma_start3A_27 : memref<125x128xf32, #tpu.memory_space<vmem_shared>>) target(%arg14 : memref<125x128xf32, #tpu.memory_space<vmem>>) target_semaphore(%run_scoped3A : memref<!tpu.dma_semaphore, #tpu.memory_space<semaphore_mem>>)
        %dma_wait3A = arith.constant 0 : i32
        %dma_wait3A_28 = tpu.memref_slice %arg10[%add3A_24, %dma_wait3A] : memref<10000x128xf32, #tpu.memory_space<vmem_shared>> -> memref<125x128xf32, #tpu.memory_space<vmem_shared>>
        %dma_wait3A_29 = arith.constant 0 : i32
        %dma_wait3A_30 = tpu.memref_slice %arg10[%add3A_24, %dma_wait3A_29] : memref<10000x128xf32, #tpu.memory_space<vmem_shared>> -> memref<125x128xf32, #tpu.memory_space<vmem_shared>>
        tpu.wait_dma2 semaphore(%run_scoped3A : memref<!tpu.dma_semaphore, #tpu.memory_space<semaphore_mem>>) src(%dma_wait3A_30 : memref<125x128xf32, #tpu.memory_space<vmem_shared>>) dst(%arg14 : memref<125x128xf32, #tpu.memory_space<vmem>>)
        tpu.yield
      }) : () -> ()
      "tpu.region"() ({
        %run_scoped3A = tpu.sem_alloc : memref<!tpu.dma_semaphore, #tpu.memory_space<semaphore_mem>>
        %dma_start3A = arith.constant 0 : i32
        %dma_start3A_25 = tpu.memref_slice %arg8[%arg0, %add3A_24, %dma_start3A] : memref<2x10000x128xf32, #tpu.memory_space<hbm>> -> memref<1x125x128xf32, #tpu.memory_space<hbm>>
        %dma_start3A_26 = tpu.memref_squeeze %dma_start3A_25 : memref<1x125x128xf32, #tpu.memory_space<hbm>> -> memref<125x128xf32, #tpu.memory_space<hbm>>
        %dma_start3A_27 = arith.constant 0 : i32
        %dma_start3A_28 = tpu.memref_slice %arg8[%arg0, %add3A_24, %dma_start3A_27] : memref<2x10000x128xf32, #tpu.memory_space<hbm>> -> memref<1x125x128xf32, #tpu.memory_space<hbm>>
        %dma_start3A_29 = tpu.memref_squeeze %dma_start3A_28 : memref<1x125x128xf32, #tpu.memory_space<hbm>> -> memref<125x128xf32, #tpu.memory_space<hbm>>
        tpu.enqueue_dma source(%arg14 : memref<125x128xf32, #tpu.memory_space<vmem>>) target(%dma_start3A_29 : memref<125x128xf32, #tpu.memory_space<hbm>>) target_semaphore(%run_scoped3A : memref<!tpu.dma_semaphore, #tpu.memory_space<semaphore_mem>>)
        %dma_wait3A = arith.constant 0 : i32
        %dma_wait3A_30 = tpu.memref_slice %arg8[%arg0, %add3A_24, %dma_wait3A] : memref<2x10000x128xf32, #tpu.memory_space<hbm>> -> memref<1x125x128xf32, #tpu.memory_space<hbm>>
        %dma_wait3A_31 = tpu.memref_squeeze %dma_wait3A_30 : memref<1x125x128xf32, #tpu.memory_space<hbm>> -> memref<125x128xf32, #tpu.memory_space<hbm>>
        %dma_wait3A_32 = arith.constant 0 : i32
        %dma_wait3A_33 = tpu.memref_slice %arg8[%arg0, %add3A_24, %dma_wait3A_32] : memref<2x10000x128xf32, #tpu.memory_space<hbm>> -> memref<1x125x128xf32, #tpu.memory_space<hbm>>
        %dma_wait3A_34 = tpu.memref_squeeze %dma_wait3A_33 : memref<1x125x128xf32, #tpu.memory_space<hbm>> -> memref<125x128xf32, #tpu.memory_space<hbm>>
        tpu.wait_dma2 semaphore(%run_scoped3A : memref<!tpu.dma_semaphore, #tpu.memory_space<semaphore_mem>>) src(%arg14 : memref<125x128xf32, #tpu.memory_space<vmem>>) dst(%dma_wait3A_34 : memref<125x128xf32, #tpu.memory_space<hbm>>)
        tpu.yield
      }) : () -> ()
      "tpu.region"() ({
        %run_scoped3A = tpu.sem_alloc : memref<!tpu.dma_semaphore, #tpu.memory_space<semaphore_mem>>
        %dma_start3A = arith.constant 0 : i32
        %dma_start3A_25 = tpu.memref_slice %arg11[%add3A_24, %dma_start3A] : memref<10000x16xf32, #tpu.memory_space<vmem_shared>> -> memref<125x16xf32, #tpu.memory_space<vmem_shared>>
        %dma_start3A_26 = arith.constant 0 : i32
        %dma_start3A_27 = tpu.memref_slice %arg11[%add3A_24, %dma_start3A_26] : memref<10000x16xf32, #tpu.memory_space<vmem_shared>> -> memref<125x16xf32, #tpu.memory_space<vmem_shared>>
        tpu.enqueue_dma source(%dma_start3A_27 : memref<125x16xf32, #tpu.memory_space<vmem_shared>>) target(%arg15 : memref<125x16xf32, #tpu.memory_space<vmem>>) target_semaphore(%run_scoped3A : memref<!tpu.dma_semaphore, #tpu.memory_space<semaphore_mem>>)
        %dma_wait3A = arith.constant 0 : i32
        %dma_wait3A_28 = tpu.memref_slice %arg11[%add3A_24, %dma_wait3A] : memref<10000x16xf32, #tpu.memory_space<vmem_shared>> -> memref<125x16xf32, #tpu.memory_space<vmem_shared>>
        %dma_wait3A_29 = arith.constant 0 : i32
        %dma_wait3A_30 = tpu.memref_slice %arg11[%add3A_24, %dma_wait3A_29] : memref<10000x16xf32, #tpu.memory_space<vmem_shared>> -> memref<125x16xf32, #tpu.memory_space<vmem_shared>>
        tpu.wait_dma2 semaphore(%run_scoped3A : memref<!tpu.dma_semaphore, #tpu.memory_space<semaphore_mem>>) src(%dma_wait3A_30 : memref<125x16xf32, #tpu.memory_space<vmem_shared>>) dst(%arg15 : memref<125x16xf32, #tpu.memory_space<vmem>>)
        tpu.yield
      }) : () -> ()
      "tpu.region"() ({
        %run_scoped3A = tpu.sem_alloc : memref<!tpu.dma_semaphore, #tpu.memory_space<semaphore_mem>>
        %dma_start3A = arith.constant 0 : i32
        %dma_start3A_25 = tpu.memref_slice %arg9[%arg0, %add3A_24, %dma_start3A] : memref<2x10000x16xf32, #tpu.memory_space<hbm>> -> memref<1x125x16xf32, #tpu.memory_space<hbm>>
        %dma_start3A_26 = tpu.memref_squeeze %dma_start3A_25 : memref<1x125x16xf32, #tpu.memory_space<hbm>> -> memref<125x16xf32, #tpu.memory_space<hbm>>
        %dma_start3A_27 = arith.constant 0 : i32
        %dma_start3A_28 = tpu.memref_slice %arg9[%arg0, %add3A_24, %dma_start3A_27] : memref<2x10000x16xf32, #tpu.memory_space<hbm>> -> memref<1x125x16xf32, #tpu.memory_space<hbm>>
        %dma_start3A_29 = tpu.memref_squeeze %dma_start3A_28 : memref<1x125x16xf32, #tpu.memory_space<hbm>> -> memref<125x16xf32, #tpu.memory_space<hbm>>
        tpu.enqueue_dma source(%arg15 : memref<125x16xf32, #tpu.memory_space<vmem>>) target(%dma_start3A_29 : memref<125x16xf32, #tpu.memory_space<hbm>>) target_semaphore(%run_scoped3A : memref<!tpu.dma_semaphore, #tpu.memory_space<semaphore_mem>>)
        %dma_wait3A = arith.constant 0 : i32
        %dma_wait3A_30 = tpu.memref_slice %arg9[%arg0, %add3A_24, %dma_wait3A] : memref<2x10000x16xf32, #tpu.memory_space<hbm>> -> memref<1x125x16xf32, #tpu.memory_space<hbm>>
        %dma_wait3A_31 = tpu.memref_squeeze %dma_wait3A_30 : memref<1x125x16xf32, #tpu.memory_space<hbm>> -> memref<125x16xf32, #tpu.memory_space<hbm>>
        %dma_wait3A_32 = arith.constant 0 : i32
        %dma_wait3A_33 = tpu.memref_slice %arg9[%arg0, %add3A_24, %dma_wait3A_32] : memref<2x10000x16xf32, #tpu.memory_space<hbm>> -> memref<1x125x16xf32, #tpu.memory_space<hbm>>
        %dma_wait3A_34 = tpu.memref_squeeze %dma_wait3A_33 : memref<1x125x16xf32, #tpu.memory_space<hbm>> -> memref<125x16xf32, #tpu.memory_space<hbm>>
        tpu.wait_dma2 semaphore(%run_scoped3A : memref<!tpu.dma_semaphore, #tpu.memory_space<semaphore_mem>>) src(%arg15 : memref<125x16xf32, #tpu.memory_space<vmem>>) dst(%dma_wait3A_34 : memref<125x16xf32, #tpu.memory_space<hbm>>)
        tpu.yield
      }) : () -> ()
    }
    %scan3A_20 = arith.constant 5 : i32
    return
  }
}

module attributes {stable_mosaic.version = 14 : i64} {
  func.func @body(%arg0: i32, %arg1: memref<2x400x128xf32, #tpu.memory_space<vmem>>, %arg2: memref<2x400x16xf32, #tpu.memory_space<vmem>>, %arg3: memref<128x128xf32, #tpu.memory_space<vmem>>, %arg4: memref<16x128xf32, #tpu.memory_space<vmem>>, %arg5: memref<1x128xf32, #tpu.memory_space<vmem>>, %arg6: memref<400x128xf32, #tpu.memory_space<vmem>>, %arg7: memref<2x128xf32, #tpu.memory_space<vmem>>) attributes {dimension_semantics = [#tpu.dimension_semantics<arbitrary>], iteration_bounds = array<i64: 25>, scalar_prefetch = 0 : i64, scratch_operands = 0 : i64, tpu.core_type = #tpu.core_type<tc>, window_params = [{transform_indices = @transform_0, window_bounds = array<i64: 2, 400, 128>}, {transform_indices = @transform_1, window_bounds = array<i64: 2, 400, 16>}, {pipeline_mode = #tpu.pipeline_mode<synchronous>, transform_indices = @transform_2, window_bounds = array<i64: 128, 128>}, {pipeline_mode = #tpu.pipeline_mode<synchronous>, transform_indices = @transform_3, window_bounds = array<i64: 16, 128>}, {pipeline_mode = #tpu.pipeline_mode<synchronous>, transform_indices = @transform_4, window_bounds = array<i64: 1, 128>}, {transform_indices = @transform_5, window_bounds = array<i64: 400, 128>}, {pipeline_mode = #tpu.pipeline_mode<synchronous>, transform_indices = @transform_6, window_bounds = array<i64: 2, 128>}]} {
    %get3A = arith.constant 0 : index
    %get3A_0 = arith.constant 0 : index
    %get3A_1 = arith.constant 0 : index
    %get3A_2 = vector.load %arg1[%get3A, %get3A_0, %get3A_1] : memref<2x400x128xf32, #tpu.memory_space<vmem>>, vector<1x400x128xf32>
    %get3A_3 = vector.shape_cast %get3A_2 : vector<1x400x128xf32> to vector<400x128xf32>
    %get3A_4 = arith.constant 1 : index
    %get3A_5 = arith.constant 0 : index
    %get3A_6 = arith.constant 0 : index
    %get3A_7 = vector.load %arg1[%get3A_4, %get3A_5, %get3A_6] : memref<2x400x128xf32, #tpu.memory_space<vmem>>, vector<1x400x128xf32>
    %get3A_8 = vector.shape_cast %get3A_7 : vector<1x400x128xf32> to vector<400x128xf32>
    %add3A = arith.addf %get3A_3, %get3A_8 : vector<400x128xf32>
    %get3A_9 = arith.constant 0 : index
    %get3A_10 = arith.constant 0 : index
    %get3A_11 = arith.constant 0 : index
    %get3A_12 = vector.load %arg2[%get3A_9, %get3A_10, %get3A_11] : memref<2x400x16xf32, #tpu.memory_space<vmem>>, vector<1x400x16xf32>
    %get3A_13 = vector.shape_cast %get3A_12 : vector<1x400x16xf32> to vector<400x16xf32>
    %get3A_14 = arith.constant 1 : index
    %get3A_15 = arith.constant 0 : index
    %get3A_16 = arith.constant 0 : index
    %get3A_17 = vector.load %arg2[%get3A_14, %get3A_15, %get3A_16] : memref<2x400x16xf32, #tpu.memory_space<vmem>>, vector<1x400x16xf32>
    %get3A_18 = vector.shape_cast %get3A_17 : vector<1x400x16xf32> to vector<400x16xf32>
    %add3A_19 = arith.addf %get3A_13, %get3A_18 : vector<400x16xf32>
    %get3A_20 = arith.constant 0 : index
    %get3A_21 = arith.constant 0 : index
    %get3A_22 = vector.load %arg3[%get3A_20, %get3A_21] : memref<128x128xf32, #tpu.memory_space<vmem>>, vector<128x128xf32>
    %dot_general3A = arith.constant dense<0.000000e+00> : vector<400x128xf32>
    %dot_general3A_23 = tpu.matmul %add3A, %get3A_22, %dot_general3A {dimension_numbers = #tpu.dot_dimension_numbers<[1], [0], [0], [1], [0, 0, 1, 1], [], []>, transpose_lhs_hint = false} : vector<400x128xf32>, vector<128x128xf32>, vector<400x128xf32> -> vector<400x128xf32>
    %get3A_24 = arith.constant 0 : index
    %get3A_25 = arith.constant 0 : index
    %get3A_26 = vector.load %arg4[%get3A_24, %get3A_25] : memref<16x128xf32, #tpu.memory_space<vmem>>, vector<16x128xf32>
    %dot_general3A_27 = arith.constant dense<0.000000e+00> : vector<400x128xf32>
    %dot_general3A_28 = tpu.matmul %add3A_19, %get3A_26, %dot_general3A_27 {dimension_numbers = #tpu.dot_dimension_numbers<[1], [0], [0], [1], [0, 0, 1, 1], [], []>, transpose_lhs_hint = false} : vector<400x16xf32>, vector<16x128xf32>, vector<400x128xf32> -> vector<400x128xf32>
    %add3A_29 = arith.addf %dot_general3A_23, %dot_general3A_28 : vector<400x128xf32>
    %get3A_30 = arith.constant 0 : index
    %get3A_31 = arith.constant 0 : index
    %get3A_32 = vector.load %arg5[%get3A_30, %get3A_31] : memref<1x128xf32, #tpu.memory_space<vmem>>, vector<1x128xf32>
    %add3A_33 = vector.broadcast %get3A_32 : vector<1x128xf32> to vector<400x128xf32>
    %add3A_34 = arith.addf %add3A_29, %add3A_33 : vector<400x128xf32>
    %max3A = arith.constant 0.000000e+00 : f32
    %max3A_35 = vector.broadcast %max3A : f32 to vector<400x128xf32>
    %max3A_36 = arith.maximumf %add3A_34, %max3A_35 : vector<400x128xf32>
    %swap3A = arith.constant 0 : index
    %swap3A_37 = arith.constant 0 : index
    %swap3A_38 = vector.load %arg6[%swap3A, %swap3A_37] : memref<400x128xf32, #tpu.memory_space<vmem>>, vector<400x128xf32>
    tpu.vector_store %arg6[%swap3A, %swap3A_37], %max3A_36 {strides = array<i32>} : memref<400x128xf32, #tpu.memory_space<vmem>>, vector<400x128xf32>,
    %eq3A = arith.constant 0 : i32
    %eq3A_39 = arith.cmpi eq, %arg0, %eq3A : i32
    %convert_element_type3A = arith.extui %eq3A_39 : i1 to i32
    %cond3A = arith.constant 0 : i32
    %cond3A_40 = arith.cmpi ne, %convert_element_type3A, %cond3A : i32
    scf.if %cond3A_40 {
      %broadcast_in_dim3A_59 = arith.constant 0.000000e+00 : f32
      %broadcast_in_dim3A_60 = vector.broadcast %broadcast_in_dim3A_59 : f32 to vector<2x128xf32>
      %swap3A_61 = arith.constant 0 : index
      %swap3A_62 = arith.constant 0 : index
      %swap3A_63 = vector.load %arg7[%swap3A_61, %swap3A_62] : memref<2x128xf32, #tpu.memory_space<vmem>>, vector<2x128xf32>
      tpu.vector_store %arg7[%swap3A_61, %swap3A_62], %broadcast_in_dim3A_60 {strides = array<i32>} : memref<2x128xf32, #tpu.memory_space<vmem>>, vector<2x128xf32>,
    } else {
    }
    %get3A_41 = arith.constant 0 : index
    %get3A_42 = arith.constant 0 : index
    %get3A_43 = vector.load %arg7[%get3A_41, %get3A_42] : memref<2x128xf32, #tpu.memory_space<vmem>>, vector<1x128xf32>
    %reduce_sum3A = arith.constant dense<0.000000e+00> : vector<128xf32>
    %reduce_sum3A_44 = vector.multi_reduction <add>, %max3A_36, %reduce_sum3A [0] : vector<400x128xf32> to vector<128xf32>
    %broadcast_in_dim3A = vector.shape_cast %reduce_sum3A_44 : vector<128xf32> to vector<1x128xf32>
    %add3A_45 = arith.addf %get3A_43, %broadcast_in_dim3A : vector<1x128xf32>
    %swap3A_46 = arith.constant 0 : index
    %swap3A_47 = arith.constant 0 : index
    %swap3A_48 = vector.load %arg7[%swap3A_46, %swap3A_47] : memref<2x128xf32, #tpu.memory_space<vmem>>, vector<1x128xf32>
    tpu.vector_store %arg7[%swap3A_46, %swap3A_47], %add3A_45 {strides = array<i32>} : memref<2x128xf32, #tpu.memory_space<vmem>>, vector<1x128xf32>,
    %get3A_49 = arith.constant 1 : index
    %get3A_50 = arith.constant 0 : index
    %get3A_51 = vector.load %arg7[%get3A_49, %get3A_50] : memref<2x128xf32, #tpu.memory_space<vmem>>, vector<1x128xf32>
    %mul3A = arith.mulf %max3A_36, %max3A_36 : vector<400x128xf32>
    %reduce_sum3A_52 = arith.constant dense<0.000000e+00> : vector<128xf32>
    %reduce_sum3A_53 = vector.multi_reduction <add>, %mul3A, %reduce_sum3A_52 [0] : vector<400x128xf32> to vector<128xf32>
    %broadcast_in_dim3A_54 = vector.shape_cast %reduce_sum3A_53 : vector<128xf32> to vector<1x128xf32>
    %add3A_55 = arith.addf %get3A_51, %broadcast_in_dim3A_54 : vector<1x128xf32>
    %swap3A_56 = arith.constant 1 : index
    %swap3A_57 = arith.constant 0 : index
    %swap3A_58 = vector.load %arg7[%swap3A_56, %swap3A_57] : memref<2x128xf32, #tpu.memory_space<vmem>>, vector<1x128xf32>
    tpu.vector_store %arg7[%swap3A_56, %swap3A_57], %add3A_55 {strides = array<i32>} : memref<2x128xf32, #tpu.memory_space<vmem>>, vector<1x128xf32>,
    return
  }
  func.func @transform_0(%arg0: i32) -> (i32, i32, i32) {
    %c0_i32 = arith.constant 0 : i32
    %c0_i32_0 = arith.constant 0 : i32
    %c0_i32_1 = arith.constant 0 : i32
    return %c0_i32, %arg0, %c0_i32_0 : i32, i32, i32
  }
  func.func @transform_1(%arg0: i32) -> (i32, i32, i32) {
    %c0_i32 = arith.constant 0 : i32
    %c0_i32_0 = arith.constant 0 : i32
    %c0_i32_1 = arith.constant 0 : i32
    return %c0_i32, %arg0, %c0_i32_0 : i32, i32, i32
  }
  func.func @transform_2(%arg0: i32) -> (i32, i32) {
    %c0_i32 = arith.constant 0 : i32
    %c0_i32_0 = arith.constant 0 : i32
    %c0_i32_1 = arith.constant 0 : i32
    return %c0_i32, %c0_i32_0 : i32, i32
  }
  func.func @transform_3(%arg0: i32) -> (i32, i32) {
    %c0_i32 = arith.constant 0 : i32
    %c0_i32_0 = arith.constant 0 : i32
    %c0_i32_1 = arith.constant 0 : i32
    return %c0_i32, %c0_i32_0 : i32, i32
  }
  func.func @transform_4(%arg0: i32) -> (i32, i32) {
    %c0_i32 = arith.constant 0 : i32
    %c0_i32_0 = arith.constant 0 : i32
    %c0_i32_1 = arith.constant 0 : i32
    return %c0_i32, %c0_i32_0 : i32, i32
  }
  func.func @transform_5(%arg0: i32) -> (i32, i32) {
    %c0_i32 = arith.constant 0 : i32
    %c0_i32_0 = arith.constant 0 : i32
    return %arg0, %c0_i32 : i32, i32
  }
  func.func @transform_6(%arg0: i32) -> (i32, i32) {
    %c0_i32 = arith.constant 0 : i32
    %c0_i32_0 = arith.constant 0 : i32
    %c0_i32_1 = arith.constant 0 : i32
    return %c0_i32, %c0_i32_0 : i32, i32
  }
}

module attributes {stable_mosaic.version = 14 : i64} {
  func.func @body(%arg0: i32, %arg1: memref<400x128xf32, #tpu.memory_space<vmem>>, %arg2: memref<2x128xf32, #tpu.memory_space<vmem>>, %arg3: memref<400x128xf32, #tpu.memory_space<vmem>>, %arg4: memref<128x128xf32, #tpu.memory_space<vmem>>, %arg5: memref<1x128xf32, #tpu.memory_space<vmem>>, %arg6: memref<1x128xf32, #tpu.memory_space<vmem>>, %arg7: memref<1x128xf32, #tpu.memory_space<vmem>>, %arg8: memref<400x128xf32, #tpu.memory_space<vmem>>, %arg9: memref<2x128xf32, #tpu.memory_space<vmem>>) attributes {dimension_semantics = [#tpu.dimension_semantics<arbitrary>], iteration_bounds = array<i64: 25>, scalar_prefetch = 0 : i64, scratch_operands = 0 : i64, tpu.core_type = #tpu.core_type<tc>, window_params = [{transform_indices = @transform_0, window_bounds = array<i64: 400, 128>}, {pipeline_mode = #tpu.pipeline_mode<synchronous>, transform_indices = @transform_1, window_bounds = array<i64: 2, 128>}, {transform_indices = @transform_2, window_bounds = array<i64: 400, 128>}, {pipeline_mode = #tpu.pipeline_mode<synchronous>, transform_indices = @transform_3, window_bounds = array<i64: 128, 128>}, {pipeline_mode = #tpu.pipeline_mode<synchronous>, transform_indices = @transform_4, window_bounds = array<i64: 1, 128>}, {pipeline_mode = #tpu.pipeline_mode<synchronous>, transform_indices = @transform_5, window_bounds = array<i64: 1, 128>}, {pipeline_mode = #tpu.pipeline_mode<synchronous>, transform_indices = @transform_6, window_bounds = array<i64: 1, 128>}, {transform_indices = @transform_7, window_bounds = array<i64: 400, 128>}, {pipeline_mode = #tpu.pipeline_mode<synchronous>, transform_indices = @transform_8, window_bounds = array<i64: 2, 128>}]} {
    %get3A = arith.constant 0 : index
    %get3A_0 = arith.constant 0 : index
    %get3A_1 = vector.load %arg2[%get3A, %get3A_0] : memref<2x128xf32, #tpu.memory_space<vmem>>, vector<1x128xf32>
    %mul3A = arith.constant 9.99999974E-5 : f32
    %mul3A_2 = vector.broadcast %mul3A : f32 to vector<1x128xf32>
    %mul3A_3 = arith.mulf %get3A_1, %mul3A_2 : vector<1x128xf32>
    %get3A_4 = arith.constant 1 : index
    %get3A_5 = arith.constant 0 : index
    %get3A_6 = vector.load %arg2[%get3A_4, %get3A_5] : memref<2x128xf32, #tpu.memory_space<vmem>>, vector<1x128xf32>
    %mul3A_7 = arith.constant 9.99999974E-5 : f32
    %mul3A_8 = vector.broadcast %mul3A_7 : f32 to vector<1x128xf32>
    %mul3A_9 = arith.mulf %get3A_6, %mul3A_8 : vector<1x128xf32>
    %mul3A_10 = arith.mulf %mul3A_3, %mul3A_3 : vector<1x128xf32>
    %sub3A = arith.subf %mul3A_9, %mul3A_10 : vector<1x128xf32>
    %get3A_11 = arith.constant 0 : index
    %get3A_12 = arith.constant 0 : index
    %get3A_13 = vector.load %arg6[%get3A_11, %get3A_12] : memref<1x128xf32, #tpu.memory_space<vmem>>, vector<1x128xf32>
    %add3A = arith.constant 9.99999974E-6 : f32
    %add3A_14 = vector.broadcast %add3A : f32 to vector<1x128xf32>
    %add3A_15 = arith.addf %sub3A, %add3A_14 : vector<1x128xf32>
    %rsqrt3A = math.rsqrt %add3A_15 : vector<1x128xf32>
    %mul3A_16 = arith.mulf %get3A_13, %rsqrt3A : vector<1x128xf32>
    %get3A_17 = arith.constant 0 : index
    %get3A_18 = arith.constant 0 : index
    %get3A_19 = vector.load %arg7[%get3A_17, %get3A_18] : memref<1x128xf32, #tpu.memory_space<vmem>>, vector<1x128xf32>
    %mul3A_20 = arith.mulf %mul3A_3, %mul3A_16 : vector<1x128xf32>
    %sub3A_21 = arith.subf %get3A_19, %mul3A_20 : vector<1x128xf32>
    %get3A_22 = arith.constant 0 : index
    %get3A_23 = arith.constant 0 : index
    %get3A_24 = vector.load %arg1[%get3A_22, %get3A_23] : memref<400x128xf32, #tpu.memory_space<vmem>>, vector<400x128xf32>
    %mul3A_25 = vector.broadcast %mul3A_16 : vector<1x128xf32> to vector<400x128xf32>
    %mul3A_26 = arith.mulf %get3A_24, %mul3A_25 : vector<400x128xf32>
    %add3A_27 = vector.broadcast %sub3A_21 : vector<1x128xf32> to vector<400x128xf32>
    %add3A_28 = arith.addf %mul3A_26, %add3A_27 : vector<400x128xf32>
    %get3A_29 = arith.constant 0 : index
    %get3A_30 = arith.constant 0 : index
    %get3A_31 = vector.load %arg4[%get3A_29, %get3A_30] : memref<128x128xf32, #tpu.memory_space<vmem>>, vector<128x128xf32>
    %dot_general3A = arith.constant dense<0.000000e+00> : vector<400x128xf32>
    %dot_general3A_32 = tpu.matmul %add3A_28, %get3A_31, %dot_general3A {dimension_numbers = #tpu.dot_dimension_numbers<[1], [0], [0], [1], [0, 0, 1, 1], [], []>, transpose_lhs_hint = false} : vector<400x128xf32>, vector<128x128xf32>, vector<400x128xf32> -> vector<400x128xf32>
    %get3A_33 = arith.constant 0 : index
    %get3A_34 = arith.constant 0 : index
    %get3A_35 = vector.load %arg5[%get3A_33, %get3A_34] : memref<1x128xf32, #tpu.memory_space<vmem>>, vector<1x128xf32>
    %add3A_36 = vector.broadcast %get3A_35 : vector<1x128xf32> to vector<400x128xf32>
    %add3A_37 = arith.addf %dot_general3A_32, %add3A_36 : vector<400x128xf32>
    %get3A_38 = arith.constant 0 : index
    %get3A_39 = arith.constant 0 : index
    %get3A_40 = vector.load %arg3[%get3A_38, %get3A_39] : memref<400x128xf32, #tpu.memory_space<vmem>>, vector<400x128xf32>
    %add3A_41 = arith.addf %add3A_37, %get3A_40 : vector<400x128xf32>
    %max3A = arith.constant 0.000000e+00 : f32
    %max3A_42 = vector.broadcast %max3A : f32 to vector<400x128xf32>
    %max3A_43 = arith.maximumf %add3A_41, %max3A_42 : vector<400x128xf32>
    %swap3A = arith.constant 0 : index
    %swap3A_44 = arith.constant 0 : index
    %swap3A_45 = vector.load %arg8[%swap3A, %swap3A_44] : memref<400x128xf32, #tpu.memory_space<vmem>>, vector<400x128xf32>
    tpu.vector_store %arg8[%swap3A, %swap3A_44], %max3A_43 {strides = array<i32>} : memref<400x128xf32, #tpu.memory_space<vmem>>, vector<400x128xf32>,
    %eq3A = arith.constant 0 : i32
    %eq3A_46 = arith.cmpi eq, %arg0, %eq3A : i32
    %convert_element_type3A = arith.extui %eq3A_46 : i1 to i32
    %cond3A = arith.constant 0 : i32
    %cond3A_47 = arith.cmpi ne, %convert_element_type3A, %cond3A : i32
    scf.if %cond3A_47 {
      %broadcast_in_dim3A_67 = arith.constant 0.000000e+00 : f32
      %broadcast_in_dim3A_68 = vector.broadcast %broadcast_in_dim3A_67 : f32 to vector<2x128xf32>
      %swap3A_69 = arith.constant 0 : index
      %swap3A_70 = arith.constant 0 : index
      %swap3A_71 = vector.load %arg9[%swap3A_69, %swap3A_70] : memref<2x128xf32, #tpu.memory_space<vmem>>, vector<2x128xf32>
      tpu.vector_store %arg9[%swap3A_69, %swap3A_70], %broadcast_in_dim3A_68 {strides = array<i32>} : memref<2x128xf32, #tpu.memory_space<vmem>>, vector<2x128xf32>,
    } else {
    }
    %get3A_48 = arith.constant 0 : index
    %get3A_49 = arith.constant 0 : index
    %get3A_50 = vector.load %arg9[%get3A_48, %get3A_49] : memref<2x128xf32, #tpu.memory_space<vmem>>, vector<1x128xf32>
    %reduce_sum3A = arith.constant dense<0.000000e+00> : vector<128xf32>
    %reduce_sum3A_51 = vector.multi_reduction <add>, %max3A_43, %reduce_sum3A [0] : vector<400x128xf32> to vector<128xf32>
    %broadcast_in_dim3A = vector.shape_cast %reduce_sum3A_51 : vector<128xf32> to vector<1x128xf32>
    %add3A_52 = arith.addf %get3A_50, %broadcast_in_dim3A : vector<1x128xf32>
    %swap3A_53 = arith.constant 0 : index
    %swap3A_54 = arith.constant 0 : index
    %swap3A_55 = vector.load %arg9[%swap3A_53, %swap3A_54] : memref<2x128xf32, #tpu.memory_space<vmem>>, vector<1x128xf32>
    tpu.vector_store %arg9[%swap3A_53, %swap3A_54], %add3A_52 {strides = array<i32>} : memref<2x128xf32, #tpu.memory_space<vmem>>, vector<1x128xf32>,
    %get3A_56 = arith.constant 1 : index
    %get3A_57 = arith.constant 0 : index
    %get3A_58 = vector.load %arg9[%get3A_56, %get3A_57] : memref<2x128xf32, #tpu.memory_space<vmem>>, vector<1x128xf32>
    %mul3A_59 = arith.mulf %max3A_43, %max3A_43 : vector<400x128xf32>
    %reduce_sum3A_60 = arith.constant dense<0.000000e+00> : vector<128xf32>
    %reduce_sum3A_61 = vector.multi_reduction <add>, %mul3A_59, %reduce_sum3A_60 [0] : vector<400x128xf32> to vector<128xf32>
    %broadcast_in_dim3A_62 = vector.shape_cast %reduce_sum3A_61 : vector<128xf32> to vector<1x128xf32>
    %add3A_63 = arith.addf %get3A_58, %broadcast_in_dim3A_62 : vector<1x128xf32>
    %swap3A_64 = arith.constant 1 : index
    %swap3A_65 = arith.constant 0 : index
    %swap3A_66 = vector.load %arg9[%swap3A_64, %swap3A_65] : memref<2x128xf32, #tpu.memory_space<vmem>>, vector<1x128xf32>
    tpu.vector_store %arg9[%swap3A_64, %swap3A_65], %add3A_63 {strides = array<i32>} : memref<2x128xf32, #tpu.memory_space<vmem>>, vector<1x128xf32>,
    return
  }
  func.func @transform_0(%arg0: i32) -> (i32, i32) {
    %c0_i32 = arith.constant 0 : i32
    %c0_i32_0 = arith.constant 0 : i32
    return %arg0, %c0_i32 : i32, i32
  }
  func.func @transform_1(%arg0: i32) -> (i32, i32) {
    %c0_i32 = arith.constant 0 : i32
    %c0_i32_0 = arith.constant 0 : i32
    %c0_i32_1 = arith.constant 0 : i32
    return %c0_i32, %c0_i32_0 : i32, i32
  }
  func.func @transform_2(%arg0: i32) -> (i32, i32) {
    %c0_i32 = arith.constant 0 : i32
    %c0_i32_0 = arith.constant 0 : i32
    return %arg0, %c0_i32 : i32, i32
  }
  func.func @transform_3(%arg0: i32) -> (i32, i32) {
    %c0_i32 = arith.constant 0 : i32
    %c0_i32_0 = arith.constant 0 : i32
    %c0_i32_1 = arith.constant 0 : i32
    return %c0_i32, %c0_i32_0 : i32, i32
  }
  func.func @transform_4(%arg0: i32) -> (i32, i32) {
    %c0_i32 = arith.constant 0 : i32
    %c0_i32_0 = arith.constant 0 : i32
    %c0_i32_1 = arith.constant 0 : i32
    return %c0_i32, %c0_i32_0 : i32, i32
  }
  func.func @transform_5(%arg0: i32) -> (i32, i32) {
    %c0_i32 = arith.constant 0 : i32
    %c0_i32_0 = arith.constant 0 : i32
    %c0_i32_1 = arith.constant 0 : i32
    return %c0_i32, %c0_i32_0 : i32, i32
  }
  func.func @transform_6(%arg0: i32) -> (i32, i32) {
    %c0_i32 = arith.constant 0 : i32
    %c0_i32_0 = arith.constant 0 : i32
    %c0_i32_1 = arith.constant 0 : i32
    return %c0_i32, %c0_i32_0 : i32, i32
  }
  func.func @transform_7(%arg0: i32) -> (i32, i32) {
    %c0_i32 = arith.constant 0 : i32
    %c0_i32_0 = arith.constant 0 : i32
    return %arg0, %c0_i32 : i32, i32
  }
  func.func @transform_8(%arg0: i32) -> (i32, i32) {
    %c0_i32 = arith.constant 0 : i32
    %c0_i32_0 = arith.constant 0 : i32
    %c0_i32_1 = arith.constant 0 : i32
    return %c0_i32, %c0_i32_0 : i32, i32
  }
}

module attributes {stable_mosaic.version = 14 : i64} {
  func.func @body(%arg0: i32, %arg1: memref<400x128xf32, #tpu.memory_space<vmem>>, %arg2: memref<2x128xf32, #tpu.memory_space<vmem>>, %arg3: memref<1x128xf32, #tpu.memory_space<vmem>>, %arg4: memref<1x128xf32, #tpu.memory_space<vmem>>, %arg5: memref<400x128xf32, #tpu.memory_space<vmem>>) attributes {dimension_semantics = [#tpu.dimension_semantics<arbitrary>], iteration_bounds = array<i64: 25>, scalar_prefetch = 0 : i64, scratch_operands = 0 : i64, tpu.core_type = #tpu.core_type<tc>, window_params = [{transform_indices = @transform_0, window_bounds = array<i64: 400, 128>}, {pipeline_mode = #tpu.pipeline_mode<synchronous>, transform_indices = @transform_1, window_bounds = array<i64: 2, 128>}, {pipeline_mode = #tpu.pipeline_mode<synchronous>, transform_indices = @transform_2, window_bounds = array<i64: 1, 128>}, {pipeline_mode = #tpu.pipeline_mode<synchronous>, transform_indices = @transform_3, window_bounds = array<i64: 1, 128>}, {transform_indices = @transform_4, window_bounds = array<i64: 400, 128>}]} {
    %get3A = arith.constant 0 : index
    %get3A_0 = arith.constant 0 : index
    %get3A_1 = vector.load %arg2[%get3A, %get3A_0] : memref<2x128xf32, #tpu.memory_space<vmem>>, vector<1x128xf32>
    %mul3A = arith.constant 9.99999974E-5 : f32
    %mul3A_2 = vector.broadcast %mul3A : f32 to vector<1x128xf32>
    %mul3A_3 = arith.mulf %get3A_1, %mul3A_2 : vector<1x128xf32>
    %get3A_4 = arith.constant 1 : index
    %get3A_5 = arith.constant 0 : index
    %get3A_6 = vector.load %arg2[%get3A_4, %get3A_5] : memref<2x128xf32, #tpu.memory_space<vmem>>, vector<1x128xf32>
    %mul3A_7 = arith.constant 9.99999974E-5 : f32
    %mul3A_8 = vector.broadcast %mul3A_7 : f32 to vector<1x128xf32>
    %mul3A_9 = arith.mulf %get3A_6, %mul3A_8 : vector<1x128xf32>
    %mul3A_10 = arith.mulf %mul3A_3, %mul3A_3 : vector<1x128xf32>
    %sub3A = arith.subf %mul3A_9, %mul3A_10 : vector<1x128xf32>
    %get3A_11 = arith.constant 0 : index
    %get3A_12 = arith.constant 0 : index
    %get3A_13 = vector.load %arg3[%get3A_11, %get3A_12] : memref<1x128xf32, #tpu.memory_space<vmem>>, vector<1x128xf32>
    %add3A = arith.constant 9.99999974E-6 : f32
    %add3A_14 = vector.broadcast %add3A : f32 to vector<1x128xf32>
    %add3A_15 = arith.addf %sub3A, %add3A_14 : vector<1x128xf32>
    %rsqrt3A = math.rsqrt %add3A_15 : vector<1x128xf32>
    %mul3A_16 = arith.mulf %get3A_13, %rsqrt3A : vector<1x128xf32>
    %get3A_17 = arith.constant 0 : index
    %get3A_18 = arith.constant 0 : index
    %get3A_19 = vector.load %arg4[%get3A_17, %get3A_18] : memref<1x128xf32, #tpu.memory_space<vmem>>, vector<1x128xf32>
    %mul3A_20 = arith.mulf %mul3A_3, %mul3A_16 : vector<1x128xf32>
    %sub3A_21 = arith.subf %get3A_19, %mul3A_20 : vector<1x128xf32>
    %get3A_22 = arith.constant 0 : index
    %get3A_23 = arith.constant 0 : index
    %get3A_24 = vector.load %arg1[%get3A_22, %get3A_23] : memref<400x128xf32, #tpu.memory_space<vmem>>, vector<400x128xf32>
    %mul3A_25 = vector.broadcast %mul3A_16 : vector<1x128xf32> to vector<400x128xf32>
    %mul3A_26 = arith.mulf %get3A_24, %mul3A_25 : vector<400x128xf32>
    %add3A_27 = vector.broadcast %sub3A_21 : vector<1x128xf32> to vector<400x128xf32>
    %add3A_28 = arith.addf %mul3A_26, %add3A_27 : vector<400x128xf32>
    %swap3A = arith.constant 0 : index
    %swap3A_29 = arith.constant 0 : index
    %swap3A_30 = vector.load %arg5[%swap3A, %swap3A_29] : memref<400x128xf32, #tpu.memory_space<vmem>>, vector<400x128xf32>
    tpu.vector_store %arg5[%swap3A, %swap3A_29], %add3A_28 {strides = array<i32>} : memref<400x128xf32, #tpu.memory_space<vmem>>, vector<400x128xf32>,
    return
  }
  func.func @transform_0(%arg0: i32) -> (i32, i32) {
    %c0_i32 = arith.constant 0 : i32
    %c0_i32_0 = arith.constant 0 : i32
    return %arg0, %c0_i32 : i32, i32
  }
  func.func @transform_1(%arg0: i32) -> (i32, i32) {
    %c0_i32 = arith.constant 0 : i32
    %c0_i32_0 = arith.constant 0 : i32
    %c0_i32_1 = arith.constant 0 : i32
    return %c0_i32, %c0_i32_0 : i32, i32
  }
  func.func @transform_2(%arg0: i32) -> (i32, i32) {
    %c0_i32 = arith.constant 0 : i32
    %c0_i32_0 = arith.constant 0 : i32
    %c0_i32_1 = arith.constant 0 : i32
    return %c0_i32, %c0_i32_0 : i32, i32
  }
  func.func @transform_3(%arg0: i32) -> (i32, i32) {
    %c0_i32 = arith.constant 0 : i32
    %c0_i32_0 = arith.constant 0 : i32
    %c0_i32_1 = arith.constant 0 : i32
    return %c0_i32, %c0_i32_0 : i32, i32
  }
  func.func @transform_4(%arg0: i32) -> (i32, i32) {
    %c0_i32 = arith.constant 0 : i32
    %c0_i32_0 = arith.constant 0 : i32
    return %arg0, %c0_i32 : i32, i32
  }
}

</mosaic_0001>

<sc_bundles>
// kernel: kernel.6.cloned.1.call-start
scs
__scs_entry_jumppad:
0x0: {  	(pc) =	sbr.rel $0x88, $3  }
0x1: {  	(tag) =	ssettag $0x0;
	lr =	simm.s32 $0x1  }
0x2: {  	[smem:$0x3F95] =	sst lr;
	_ =	strace $0xD0000000  }
0x3: {  	_ = 	snop  }
0x4: {  	_ = 	snop  }
0x5: {  	_ = 	snop  }
0x6: {  	_ = 	snop  }
0x7: {  	_ = 	snop  }
__scs_overlays_trampoline_lowered:
0x8: {  	[smem:$0x3FA4] =	sst s0  }
0x9: {  	[smem:$0x3FA5] =	sst s1  }
0xa: {  	[smem:$0x3FA6] =	sst s2  }
0xb: {  	[smem:$0x3FA7] =	sst s3  }
0xc: {  	[smem:$0x3FA8] =	sst s4  }
0xd: {  	[smem:$0x3FA9] =	sst s5  }
0xe: {  	[smem:$0x3FAA] =	sst s6  }
0xf: {  	[smem:$0x3FAB] =	sst s7  }
0x10: {  	[smem:$0x3FAC] =	sst s8  }
0x11: {  	[smem:$0x3FAD] =	sst s9;
	s0 =	simm.s32 @!p0 $0x0  }
0x12: {  	s1 =	sld [smem:$0x3F93];
	s0 =	simm.s32 @p0 $0x1  }
0x13: {  	[smem:$0x3FAE] =	sst s0;
	s0 =	simm.s32 @!p1 $0x0  }
0x14: {  	s2 =	sld [smem:$0x3F92];
	s0 =	simm.s32 @p1 $0x1  }
0x15: {  	[smem:$0x3FAF] =	sst s0;
	s0 =	simm.s32 @!p2 $0x0  }
0x16: {  	s3 =	sld [smem:$0x3FDB];
	s0 =	simm.s32 @p2 $0x1  }
0x17: {  	s4 =	simm.s32 $0x1BF5;
	[smem:$0x3FB1] =	sst s0  }
0x18: {  	s0 =	sld [smem:$0x3F94];
	_ =	swait.ge [sflag:s4], $0x0  }
0x19: {  	s7 =	sld [smem:$0x3F95]  }
0x1a: {  	s8 =	sadd.s32 $0xFFFFE003, lr  }
0x1b: {  	s9 =	sadd.s32 $0xFFFFFEF7, lr;
	s5 =	simm.s32 $0xFFFFFFFF;
	p2 =	slt.u32 s8, $0xFFFFF086  }
0x1c: {  	p1 =	slt.u32 s9, $0xF7A;
	s5 =	simm.s32 @!p2 $0x0  }
0x1d: {  	s5 =	simm.s32 @p1 $0x1;
	p0 =	seq.s32 s7, s2  }
0x1e: {  	s7 =	smul.u32 @!p0 $0xF7A, s2;
	p2 =	seq.s32 @!p0 s5, $0x0  }
0x1f: {  	s9 =	smul.u32 $0xF7A, s1;
	s8 =	simm.s32 @!p0 $0x1BF5;
	p2 =	por !p2, p0  }
0x20: {  	[sflag:s8] =	ssyncset.s32 @!p0 $0xFFFFF086;
	s6 =	sadd.s32 @!p0 s3, s7;
	s7 =	simm.s32 @!p0 $0x108  }
0x21: {  	s3 =	sadd.s32 s3, s9;
	s6 =	sadd.s32 @!p0 $0x88, s6;
	s7 =	simm.s32 @p2 $0x1082  }
0x22: {  	[simem:s7], [sflag:s8] =	dma.local @!p0 [hbm:s6], $0xF7A  }
0x23: {  	s9 =	sor.u32 $0xD0000000, s2;
	s6 =	simm.s32 $0x108;
	_ =	swait.ge @!p0 [sflag:s8], $0x0  }
0x24: {  	s3 =	sadd.s32 $0x88, s3;
	s6 =	simm.s32 @!p1 $0x1082;
	[sflag:s4] =	ssyncset.s32 $0xFFFFF086  }
0x25: {  	[simem:s6], [sflag:s4] =	dma.local [hbm:s3], $0xF7A  }
0x26: {  	[smem:$0x3F95] =	sst s1;
	(tag) =	ssettag s2;
	_ =	strace s9  }
0x27: {  	s1 =	sld [smem:$0x3FA5]  }
0x28: {  	s2 =	sld [smem:$0x3FA6]  }
0x29: {  	s4 =	sld [smem:$0x3FA8]  }
0x2a: {  	p0 =	seq.s32 s5, $0x0;
	s5 =	sld [smem:$0x3FA9]  }
0x2b: {  	s6 =	sld [smem:$0x3FAA]  }
0x2c: {  	s7 =	sld [smem:$0x3FAB]  }
0x2d: {  	s3 =	simm.s32 $0x108;
	s8 =	sld [smem:$0x3FAC]  }
0x2e: {  	s3 =	simm.s32 @!p0 $0x1082;
	s9 =	sld [smem:$0x3FAD]  }
0x2f: {  	lr =	sadd.s32 s0, s3;
	s0 =	sld [smem:$0x3FA4]  }
0x30: {  	s3 =	sld [smem:$0x3FA7]  }
0x31: {  	[smem:$0x3FB0] =	sst s10  }
0x32: {  	s10 =	sld [smem:$0x3FAE];
	_ =	sdelay $0x3  }
0x33: {  	p0 =	seq.s32 s10, $0x1;
	s10 =	sld [smem:$0x3FB0];
	_ =	sdelay $0x3  }
0x34: {  	[smem:$0x3FB0] =	sst s10  }
0x35: {  	s10 =	sld [smem:$0x3FAF];
	_ =	sdelay $0x3  }
0x36: {  	p1 =	seq.s32 s10, $0x1;
	s10 =	sld [smem:$0x3FB0];
	_ =	sdelay $0x3  }
0x37: {  	[smem:$0x3FB0] =	sst s10  }
0x38: {  	s10 =	sld [smem:$0x3FB1]  }
0x39: {  	_ = 	snop;
	(pc) =	sbr.ind lr, $3  }
0x3a: {  	_ = 	snop  }
0x3b: {  	_ = 	snop  }
0x3c: {  	p2 =	seq.s32 s10, $0x1;
	s10 =	sld [smem:$0x3FB0]  }
0x3d: {  	_ =	shalt  }
0x3e: {  	_ =	shalt  }
0x3f: {  	_ =	shalt  }
0x40: {  	_ =	shalt  }
0x41: {  	_ =	shalt  }
0x42: {  	_ =	shalt  }
0x43: {  	_ =	shalt  }
0x44: {  	_ =	shalt  }
0x45: {  	_ =	shalt  }
0x46: {  	_ =	shalt  }
0x47: {  	_ =	shalt  }
0x48: {  	_ =	shalt  }
0x49: {  	_ =	shalt  }
0x4a: {  	_ =	shalt  }
0x4b: {  	_ =	shalt  }
0x4c: {  	_ =	shalt  }
0x4d: {  	_ =	shalt  }
0x4e: {  	_ =	shalt  }
0x4f: {  	_ =	shalt  }
0x50: {  	_ =	shalt  }
0x51: {  	_ =	shalt  }
0x52: {  	_ =	shalt  }
0x53: {  	_ =	shalt  }
0x54: {  	_ =	shalt  }
0x55: {  	_ =	shalt  }
0x56: {  	_ =	shalt  }
0x57: {  	_ =	shalt  }
0x58: {  	_ =	shalt  }
0x59: {  	_ =	shalt  }
0x5a: {  	_ =	shalt  }
0x5b: {  	_ =	shalt  }
0x5c: {  	_ =	shalt  }
0x5d: {  	_ =	shalt  }
0x5e: {  	_ =	shalt  }
0x5f: {  	_ =	shalt  }
0x60: {  	_ =	shalt  }
0x61: {  	_ =	shalt  }
0x62: {  	_ =	shalt  }
0x63: {  	_ =	shalt  }
0x64: {  	_ =	shalt  }
0x65: {  	_ =	shalt  }
0x66: {  	_ =	shalt  }
0x67: {  	_ =	shalt  }
0x68: {  	_ =	shalt  }
0x69: {  	_ =	shalt  }
0x6a: {  	_ =	shalt  }
0x6b: {  	_ =	shalt  }
0x6c: {  	_ =	shalt  }
0x6d: {  	_ =	shalt  }
0x6e: {  	_ =	shalt  }
0x6f: {  	_ =	shalt  }
0x70: {  	_ =	shalt  }
0x71: {  	_ =	shalt  }
0x72: {  	_ =	shalt  }
0x73: {  	_ =	shalt  }
0x74: {  	_ =	shalt  }
0x75: {  	_ =	shalt  }
0x76: {  	_ =	shalt  }
0x77: {  	_ =	shalt  }
0x78: {  	_ =	shalt  }
0x79: {  	_ =	shalt  }
0x7a: {  	_ =	shalt  }
0x7b: {  	_ =	shalt  }
0x7c: {  	_ =	shalt  }
0x7d: {  	_ =	shalt  }
0x7e: {  	_ =	shalt  }
0x7f: {  	_ =	shalt  }
0x80: {  	_ =	shalt  }
0x81: {  	_ =	shalt  }
0x82: {  	_ =	shalt  }
0x83: {  	_ =	shalt  }
0x84: {  	_ =	shalt  }
0x85: {  	_ =	shalt  }
0x86: {  	_ =	shalt  }
0x87: {  	_ =	shalt  }
.Lfunc_end0:
.L_simem_size_0:
called_computation_lowered:
.L_overlay_start_0:
0x88: {  	s2 =	sld [smem:$0x3FD9]  }
0x89: {  	s3 =	sld [smem:$0x3FFE];
	_ =	sdelay $0x1  }
0x8a: {  	s1 =	srdreg.scid  }
0x8b: {  	s0 =	sand.u32 $0x1, s1  }
0x8c: {  	s17 =	sshll.u32 s0, $0xA;
	s2 =	sadd.s32 s3, s2  }
0x8d: {  	s2 =	sadd.s32 s2, s17  }
0x8e: {  	[smem:$0x3FBC] =	sst s2  }
0x8f: {  	_ = 	snop  }
0x90: {  	s2 =	sld [smem:$0x3FC9]  }
0x91: {  	s18 =	sld [smem:$0x3FD0];
	(tm) =	ssettm $0x1  }
0x92: {  	s4 =	sld [smem:$0x3FFB];
	_ =	sdelay $0x3  }
0x93: {  	_ =	strace s4  }
0x94: {  	s4 =	sld [smem:$0x3FFC];
	_ =	sdelay $0x3  }
0x95: {  	_ =	strace s4  }
0x96: {  	s4 =	sld [smem:$0x3FFD];
	_ =	sdelay $0x3  }
0x97: {  	_ =	strace s4  }
0x98: {  	_ =	strace $0x8FFFFFFF  }
0x99: {  	s19 =	sld [smem:$0x3FDB];
	_ =	sdelay $0x1  }
0x9a: {  	s5 =	simm.s32 $_scs_section_size  }
0x9b: {  	s6 =	simm.s32 $_size__tile_overlayer_lowered;
	s7 =	simm.s32 $_tile_overlayer_lowered  }
0x9c: {  	s22 =	simm.s32 $0x1BFF;
	s21 =	sshll.u32 s7, $0x1;
	s4 =	sadd.s32 s5, s19  }
0x9d: {  	s8 =	simm.s32 $0x0;
	s20 =	sshll.u32 s6, $0x1;
	s6 =	sadd.s32 s21, s4  }
0x9e: {  	[timem:s8], [sflag:s22] =	dma.local [hbm:s6], s20  }
0x9f: {  	_ =	swait.ge [sflag:s22], s20  }
0xa0: {  	s5 =	ssub.s32 $0x0, s20;
	[sflag:s22] =	ssyncset.done $0x0  }
0xa1: {  	[sflag:s22] =	ssyncadd.s32 s5;
	_ =	sdelay $0x1  }
0xa2: {  	s23 =	simm.s32 $0x1B8B  }
0xa3: {  	_ =	swait.ge [sflag:s23], $0x1  }
0xa4: {  	[sflag:s23] =	ssyncset.done $0x0  }
0xa5: {  	s25 =	simm.s32 $0x1B8E;
	s24 =	sld [smem:$0x3FFE];
	[sflag:s23] =	ssyncadd.s32 $0xFFFFFFFF  }
0xa6: {  	s26 =	simm.s32 $execute0_lowered;
	[smem:$0x3FD2] =	sst s25  }
0xa7: {  	s6 =	sshll.u32 s26, $0x1;
	_ =	strace $0x80000046;
	[dreg:$0x1] =	wrdreg $0xFFFFFFFF  }
0xa8: {  	s28 =	simm.s32 $_size_execute0_lowered;
	s4 =	sadd.s32 s4, s6;
	[dreg:$0x0] =	wrdreg $0x0  }
0xa9: {  	s6 =	sshll.u32 s28, $0x1;
	[dreg:$0x2] =	wrdreg s4  }
0xaa: {  	[dreg:$0x3] =	wrdreg s6  }
0xab: {  	[dreg:$0x4] =	wrdreg $0xC0  }
0xac: {  	_ =	task [dreg:s8], $0x5FFFF  }
0xad: {  	[dreg:$0x1] =	wrdreg $0xFFFFFFFF  }
0xae: {  	[dreg:$0x0] =	wrdreg $0x60  }
0xaf: {  	[dreg:$0x2] =	wrdreg s18  }
0xb0: {  	[dreg:$0x3] =	wrdreg s24  }
0xb1: {  	[dreg:$0x4] =	wrdreg s2  }
0xb2: {  	[dreg:$0x5] =	wrdreg $0x0  }
0xb3: {  	[dreg:$0x6] =	wrdreg $0x138800  }
0xb4: {  	[dreg:$0x7] =	wrdreg $0x9  }
0xb5: {  	_ =	task.clear_ibuf [dreg:s8], $0x8FFFF;
	_ =	strace $0x90000046  }
0xb6: {  	s29 =	simm.s32 $0x9;
	_ =	strace $0x80000048  }
0xb7: {  	_ =	swait.ge [sflag:s29], $0x1  }
0xb8: {  	[sflag:s29] =	ssyncadd.s32 $0xFFFFFFFF  }
0xb9: {  	_ =	strace $0x90000048  }
0xba: {  	_ =	sfence  }
0xbb: {  	s30 =	sld [smem:$0x0];
	_ =	sdelay $0x2  }
0xbc: {  	s31 =	sshll.u32 s1, $0xD;
	s1 =	sshrl.u32 s1, $0x2  }
0xbd: {  	s3 =	sand.u32 $0x4000, s31;
	s1 =	sadd.s32 s1, s30  }
0xbe: {  	s0 =	sor.u32 s3, s0;
	s1 =	sshll.u32 s1, $0x11  }
0xbf: {  	s0 =	sor.u32 s1, s0  }
0xc0: {  	s0 =	sadd.s32 $0x8F2B, s0  }
0xc1: {  	[sflag:s0] =	ssyncadd.remote.s32 $0x1  }
0xc2: {  	_ =	sfence.sel $0xFFFF  }
0xc3: {  	[dreg:$0x0] =	wrdreg $0xFFFFFFFF;
	(pc) =	sbr.abs _section_cstart, $3  }
0xc4: {  	[dreg:$0x1] =	wrdreg $0xFFFFFFFF  }
0xc5: {  	_ =	task.clear_ibuf [dreg:s8], $0x2FFFF;
	_ =	strace $0x9FFFFFFF  }
0xc6: {  	(tm) =	ssettm $0x7FFFFFFF  }
0xc7: {  	_ =	shalt  }
tec
execute0_lowered:
.L_overlay_start_1:
0x0: {  	(tag) =	ssettag $0x1  }
0x1: {  	s0 =	rddreg [dreg:$0x1];
	s19 =	stileid.u32  }
0x2: {  	s2 =	srdreg.scid;
	s11 =	smul.u32 $0x271, s19  }
0x3: {  	s1 =	simm.s32 $0x0;
	s9 =	sand.u32 $0x1, s2;
	s20 =	smul.u32 $0x13880, s19  }
0x4: {  	[smem:$0x7FF] =	sst s1;
	s10 =	sadd.s32 $0x16800, s0;
	s14 =	smul.u32 $0x138800, s9  }
0x5: {  	s12 =	sadd.s32 $0xCA00, s0;
	s2 =	ssub.s32 $0x2, s9;
	s15 =	smul.u32 $0x27100, s9  }
0x6: {  	s3 =	sshrl.u32 s2, $0x1;
	s16 =	sadd.s32 $0x7D, s11;
	s7 =	sadd.s32 $0xFA, s11  }
0x7: {  	s13 =	sadd.s32 $0x177, s11;
	s11 =	sadd.s32 $0x1F4, s11;
	s2 =	ssub.s32 s2, s3  }
0x8: {  	s4 =	sshll.u32 s16, $0x7;
	s5 =	sshll.u32 s16, $0x4;
	s6 =	sshll.u32 s7, $0x7  }
0x9: {  	s7 =	sshll.u32 s7, $0x4;
	s8 =	sshll.u32 s13, $0x7;
	s3 =	smul.u32 $0x2710, s19  }
0xa: {  	s13 =	sshll.u32 s13, $0x4;
	s16 =	sadd.s32 s14, s20;
	s31 =	sshll.u32 s11, $0x7  }
0xb: {  	s11 =	sshll.u32 s11, $0x4;
	s16 =	sshrl.u32 s16, $0x3;
	s18 =	sadd.s32 s14, s4  }
0xc: {  	s21 =	sadd.s32 s15, s5;
	s24 =	sadd.s32 s15, s7;
	s17 =	sadd.s32 s15, s3  }
0xd: {  	s25 =	sadd.s32 s14, s8;
	s16 =	sadd.s32 s10, s16;
	s17 =	sshrl.u32 s17, $0x3  }
0xe: {  	[dreg:$0x6] =	wrdreg s16;
	s16 =	sadd.s32 s12, s17;
	s17 =	sshrl.u32 s21, $0x3  }
0xf: {  	[dreg:$0x7] =	wrdreg s16;
	s16 =	sshrl.u32 s18, $0x3;
	s18 =	sadd.s32 s14, s6  }
0x10: {  	s22 =	sadd.s32 s12, s17;
	s17 =	sshrl.u32 s25, $0x3;
	s14 =	sadd.s32 s14, s31  }
0x11: {  	s16 =	sadd.s32 s10, s16;
	[dreg:$0x9] =	wrdreg s22;
	s23 =	sshrl.u32 s18, $0x3  }
0x12: {  	s26 =	sadd.s32 s10, s17;
	s14 =	sshrl.u32 s14, $0x3;
	s18 =	rddreg [dreg:$0x0]  }
0x13: {  	s17 =	sadd.s32 s15, s11;
	s22 =	sshll.u32 s9, $0x4;
	[dreg:$0x8] =	wrdreg s16  }
0x14: {  	s9 =	smul.u32 $0x4E200, s9;
	s16 =	sadd.s32 s10, s23;
	[dreg:$0xc] =	wrdreg s26  }
0x15: {  	s10 =	sadd.s32 s10, s14;
	s14 =	sshrl.u32 s17, $0x3;
	[dreg:$0xa] =	wrdreg s16  }
0x16: {  	s23 =	smul.u32 $0x4E20, s19;
	s16 =	sshrl.u32 s24, $0x3;
	[dreg:$0xd] =	wrdreg s10  }
0x17: {  	s21 =	sadd.s32 s12, s14;
	s14 =	rddreg [dreg:$0x3];
	s9 =	sadd.s32 s9, s0  }
0x18: {  	s24 =	sadd.s32 $0xC000, s0;
	s16 =	sadd.s32 s12, s16;
	[dreg:$0xf] =	wrdreg s21  }
0x19: {  	s9 =	sadd.s32 s23, s9;
	s21 =	smul.u32 $0x4E200, s19;
	s20 =	sadd.s32 s20, s14  }
0x1a: {  	s29 =	sadd.s32 s8, s14;
	s31 =	sadd.s32 s31, s14;
	[dreg:$0xb] =	wrdreg s16  }
0x1b: {  	s8 =	simm.s32 $0x0;
	s16 =	sadd.s32 s15, s13;
	s15 =	rddreg [dreg:$0x4]  }
0x1c: {  	s10 =	sshrl.u32 s16, $0x3;
	s25 =	sshrl.u32 s21, $0x2;
	s21 =	smax.u32 s2, $0x1  }
0x1d: {  	s28 =	sadd.s32 s7, s15;
	s30 =	sadd.s32 s13, s15;
	s13 =	sadd.s32 s11, s15  }
0x1e: {  	s2 =	sadd.s32 $0x50C000, s9;
	s7 =	simm.s32 $0x1;
	s10 =	sadd.s32 s12, s10  }
0x1f: {  	[dreg:$0xe] =	wrdreg s10;
	s10 =	sor.u32 s19, s22;
	s22 =	smul.u32 $0x9C40, s19  }
0x20: {  	s12 =	rddreg [dreg:$0x2];
	s10 =	smul.u32 $0x500, s10;
	_ =	strace $0x80000047  }
0x21: {  	[dreg:$0x11] =	wrdreg s24;
	s24 =	sadd.s32 s4, s14;
	s4 =	simm.s32 $0x1AF90  }
0x22: {  	s26 =	sshrl.u32 s22, $0x2;
	s22 =	sadd.s32 s25, s14;
	s25 =	sadd.s32 s5, s15  }
0x23: {  	s5 =	simm.s32 $0x1EE10;
	s16 =	sadd.s32 s18, s10;
	s10 =	sadd.s32 s10, s0  }
0x24: {  	s0 =	sadd.s32 $0xC800, s0;
	s23 =	sadd.s32 s26, s15;
	[dreg:$0x10] =	wrdreg s16  }
0x25: {  	s26 =	sadd.s32 s6, s14;
	s6 =	simm.s32 $0x7D;
	[dreg:$0x12] =	wrdreg s0  }
0x26: {  	s19 =	sadd.s32 $0x2000, s10;
	s0 =	sadd.s32 s3, s15;
	s3 =	simm.s32 $0x2  }
.LBB2_1:
0x27: {  	s9 =	rddreg [dreg:$0x10];
	s10 =	simm.s32 $0x15F90  }
0x28: {  	[tilespmem:s10], [sflag:$0x2] =	stream.linear.gather [hbm4b:s9+s1], $0x2800, $0x38;
	[tilespmem:$0x1F5E0] =	vst v63  }
0x29: {  	_ =	swait.ge [sflag:s3], $0x2800  }
0x2a: {  	[sflag:s3] =	ssyncset.done $0x0  }
0x2b: {  	s10 =	simm.s32 $0x18790;
	[sflag:s3] =	ssyncadd.s32 $0xFFFFD800  }
0x2c: {  	[tilespmem:s10], [sflag:$0x2] =	stream.linear.gather [hbm4b:s19+s1], $0x2800, $0x38;
	[tilespmem:$0x1F5E0] =	vst v63  }
0x2d: {  	_ =	swait.ge [sflag:s3], $0x2800  }
0x2e: {  	[sflag:s3] =	ssyncset.done $0x0  }
0x2f: {  	s11 =	rddreg [dreg:$0x11];
	[sflag:s3] =	ssyncadd.s32 $0xFFFFD800  }
0x30: {  	[tilespmem:s4], [sflag:$0x2] =	stream.linear.gather [hbm4b:s11+s1], $0x3E80, $0x38;
	[tilespmem:$0x1F5E0] =	vst v63  }
0x31: {  	_ =	swait.ge [sflag:s3], $0x3E80  }
0x32: {  	[sflag:s3] =	ssyncset.done $0x0  }
0x33: {  	s16 =	rddreg [dreg:$0x12];
	[sflag:s3] =	ssyncadd.s32 $0xFFFFC180  }
0x34: {  	[tilespmem:s5], [sflag:$0x2] =	stream.linear.gather [hbm4b:s16+s1], $0x7D0, $0x38;
	[tilespmem:$0x1F5E0] =	vst v63  }
0x35: {  	_ =	swait.ge [sflag:s3], $0x7D0  }
0x36: {  	[sflag:s3] =	ssyncset.done $0x0  }
0x37: {  	[sflag:s3] =	ssyncadd.s32 $0xFFFFF830  }
0x38: {  	[spmem:s22] =	stream.linear.scatter [tilespmem:s4], [sflag:$0x2], $0x3E80, $0x38;
	[tilespmem:$0x1F5E0] =	vst v63  }
0x39: {  	_ =	swait.ge [sflag:s3], $0x3E80  }
0x3a: {  	[sflag:s3] =	ssyncset.done $0x0  }
0x3b: {  	[sflag:s3] =	ssyncadd.s32 $0xFFFFC180  }
0x3c: {  	[spmem:s23] =	stream.linear.scatter [tilespmem:s5], [sflag:$0x2], $0x7D0, $0x38;
	[tilespmem:$0x1F5E0] =	vst v63  }
0x3d: {  	_ =	swait.ge [sflag:s3], $0x7D0  }
0x3e: {  	[sflag:s3] =	ssyncset.done $0x0  }
0x3f: {  	[sflag:s3] =	ssyncadd.s32 $0xFFFFF830  }
0x40: {  	[spmem:s24] =	stream.linear.scatter [tilespmem:s4], [sflag:$0x2], $0x3E80, $0x38;
	[tilespmem:$0x1F5E0] =	vst v63  }
0x41: {  	_ =	swait.ge [sflag:s3], $0x3E80  }
0x42: {  	[sflag:s3] =	ssyncset.done $0x0  }
0x43: {  	[sflag:s3] =	ssyncadd.s32 $0xFFFFC180  }
0x44: {  	[spmem:s25] =	stream.linear.scatter [tilespmem:s5], [sflag:$0x2], $0x7D0, $0x38;
	[tilespmem:$0x1F5E0] =	vst v63  }
0x45: {  	_ =	swait.ge [sflag:s3], $0x7D0  }
0x46: {  	[sflag:s3] =	ssyncset.done $0x0  }
0x47: {  	[sflag:s3] =	ssyncadd.s32 $0xFFFFF830  }
0x48: {  	[spmem:s26] =	stream.linear.scatter [tilespmem:s4], [sflag:$0x2], $0x3E80, $0x38;
	[tilespmem:$0x1F5E0] =	vst v63  }
0x49: {  	_ =	swait.ge [sflag:s3], $0x3E80  }
0x4a: {  	[sflag:s3] =	ssyncset.done $0x0  }
0x4b: {  	[sflag:s3] =	ssyncadd.s32 $0xFFFFC180  }
0x4c: {  	[spmem:s28] =	stream.linear.scatter [tilespmem:s5], [sflag:$0x2], $0x7D0, $0x38;
	[tilespmem:$0x1F5E0] =	vst v63  }
0x4d: {  	_ =	swait.ge [sflag:s3], $0x7D0  }
0x4e: {  	[sflag:s3] =	ssyncset.done $0x0  }
0x4f: {  	[sflag:s3] =	ssyncadd.s32 $0xFFFFF830  }
0x50: {  	[spmem:s29] =	stream.linear.scatter [tilespmem:s4], [sflag:$0x2], $0x3E80, $0x38;
	[tilespmem:$0x1F5E0] =	vst v63  }
0x51: {  	_ =	swait.ge [sflag:s3], $0x3E80  }
0x52: {  	[sflag:s3] =	ssyncset.done $0x0  }
0x53: {  	[sflag:s3] =	ssyncadd.s32 $0xFFFFC180  }
0x54: {  	[spmem:s30] =	stream.linear.scatter [tilespmem:s5], [sflag:$0x2], $0x7D0, $0x38;
	[tilespmem:$0x1F5E0] =	vst v63  }
0x55: {  	_ =	swait.ge [sflag:s3], $0x7D0  }
0x56: {  	[sflag:s3] =	ssyncset.done $0x0  }
0x57: {  	[sflag:s3] =	ssyncadd.s32 $0xFFFFF830  }
0x58: {  	[spmem:s31] =	stream.linear.scatter [tilespmem:s4], [sflag:$0x2], $0x3E80, $0x38;
	[tilespmem:$0x1F5E0] =	vst v63  }
0x59: {  	_ =	swait.ge [sflag:s3], $0x3E80  }
0x5a: {  	[sflag:s3] =	ssyncset.done $0x0  }
0x5b: {  	[sflag:s3] =	ssyncadd.s32 $0xFFFFC180  }
0x5c: {  	[spmem:s13] =	stream.linear.scatter [tilespmem:s5], [sflag:$0x2], $0x7D0, $0x38;
	[tilespmem:$0x1F5E0] =	vst v63  }
0x5d: {  	_ =	swait.ge [sflag:s3], $0x7D0  }
0x5e: {  	[sflag:s3] =	ssyncset.done $0x0  }
0x5f: {  	[sflag:s3] =	ssyncadd.s32 $0xFFFFF830  }
0x60: {  	s17 =	simm.s32 $0x15F90;
	[bflag:$0x0] =	sbarrier.arrive $0xFFFF  }
0x61: {  	[tilespmem:s4], [sflag:$0x1] =	stream.indirect.gather [hbm4b:s12+s6], $0x80, s17, s6, $0xb8;
	[tilespmem:$0x1F5E0] =	vst v63  }
0x62: {  	_ =	swait.ge [sflag:s7], $0x3E80  }
0x63: {  	[sflag:s7] =	ssyncset.done $0x0  }
0x64: {  	[sflag:s7] =	ssyncadd.s32 $0xFFFFC180  }
0x65: {  	[tilespmem:s5], [sflag:$0x2] =	stream.linear.gather [hbm4b:s2+s1], $0x7D0, $0x38;
	[tilespmem:$0x1F5E0] =	vst v63  }
0x66: {  	_ =	swait.ge [sflag:s3], $0x7D0  }
0x67: {  	[sflag:s3] =	ssyncset.done $0x0  }
0x68: {  	s18 =	simm.s32 $0x18790;
	[sflag:s3] =	ssyncadd.s32 $0xFFFFF830  }
0x69: {  	[spmem:s14] =	stream.indirect.scatter.add.f32 [tilespmem:s4], [sflag:$0x2], $0x80, s18, s6, $0xb8;
	[tilespmem:$0x1F5E0] =	vst v63  }
0x6a: {  	_ =	swait.ge [sflag:s3], $0x3E80  }
0x6b: {  	[sflag:s3] =	ssyncset.done $0x0  }
0x6c: {  	[sflag:s3] =	ssyncadd.s32 $0xFFFFC180  }
0x6d: {  	[spmem:s15] =	stream.indirect.scatter.add.f32 [tilespmem:s5], [sflag:$0x2], $0x10, s18, s6, $0xb8;
	[tilespmem:$0x1F5E0] =	vst v63  }
0x6e: {  	s9 =	sadd.s32 $0xFA, s2;
	_ =	swait.ge [sflag:s3], $0x7D0  }
0x6f: {  	s10 =	simm.s32 $0x80;
	s11 =	simm.s32 $0x400;
	[sflag:s3] =	ssyncset.done $0x0  }
.LBB2_2:
0x70: {  	s16 =	sadd.s32 $0x15F90, s10  }
0x71: {  	[sflag:s3] =	ssyncadd.s32 $0xFFFFF830;
	s17 =	smov.u32 s11;
	s18 =	sadd.s32 $0x200, s11  }
0x72: {  	[tilespmem:s4], [sflag:$0x1] =	stream.indirect.gather [hbm4b:s12+s6], $0x80, s16, s6, $0xb8;
	[tilespmem:$0x1F5E0] =	vst v63  }
0x73: {  	p0 =	sne.s32 s11, $0x9E00;
	_ =	swait.ge [sflag:s7], $0x3E80  }
0x74: {  	[sflag:s7] =	ssyncset.done $0x0  }
0x75: {  	[sflag:s7] =	ssyncadd.s32 $0xFFFFC180  }
0x76: {  	[tilespmem:s5], [sflag:$0x2] =	stream.linear.gather [hbm4b:s9+s1], $0x7D0, $0x38;
	[tilespmem:$0x1F5E0] =	vst v63  }
0x77: {  	_ =	swait.ge [sflag:s3], $0x7D0  }
0x78: {  	[sflag:s3] =	ssyncset.done $0x0  }
0x79: {  	s10 =	sadd.s32 $0x18790, s10;
	[sflag:s3] =	ssyncadd.s32 $0xFFFFF830  }
0x7a: {  	[spmem:s14] =	stream.indirect.scatter.add.f32 [tilespmem:s4], [sflag:$0x2], $0x80, s10, s6, $0xb8;
	[tilespmem:$0x1F5E0] =	vst v63  }
0x7b: {  	_ =	swait.ge [sflag:s3], $0x3E80  }
.Ltmp0:
0x7c: {  	[sflag:s3] =	ssyncset.done $0x0;
	(pc) =	sbr.rel @p0 .LBB2_2-.Ltmp0, $4  }
0x7d: {  	[sflag:s3] =	ssyncadd.s32 $0xFFFFC180  }
0x7e: {  	[spmem:s15] =	stream.indirect.scatter.add.f32 [tilespmem:s5], [sflag:$0x2], $0x10, s10, s6, $0xb8;
	[tilespmem:$0x1F5E0] =	vst v63  }
0x7f: {  	s11 =	smov.u32 s18;
	_ =	swait.ge [sflag:s3], $0x7D0  }
0x80: {  	s9 =	sadd.s32 $0xFA, s9;
	s10 =	sshra.s32 s17, $0x2;
	[sflag:s3] =	ssyncset.done $0x0  }
0x81: {  	s11 =	sadd.s32 $0x15F90, s10;
	[sflag:s3] =	ssyncadd.s32 $0xFFFFF830  }
0x82: {  	[tilespmem:s4], [sflag:$0x1] =	stream.indirect.gather [hbm4b:s12+s6], $0x80, s11, s6, $0xb8;
	[tilespmem:$0x1F5E0] =	vst v63  }
0x83: {  	_ =	swait.ge [sflag:s7], $0x3E80  }
0x84: {  	[sflag:s7] =	ssyncset.done $0x0  }
0x85: {  	[sflag:s7] =	ssyncadd.s32 $0xFFFFC180  }
0x86: {  	[tilespmem:s5], [sflag:$0x2] =	stream.linear.gather [hbm4b:s9+s1], $0x7D0, $0x38;
	[tilespmem:$0x1F5E0] =	vst v63  }
0x87: {  	_ =	swait.ge [sflag:s3], $0x7D0  }
0x88: {  	[sflag:s3] =	ssyncset.done $0x0  }
0x89: {  	s18 =	sadd.s32 $0x18790, s10;
	[sflag:s3] =	ssyncadd.s32 $0xFFFFF830  }
0x8a: {  	[spmem:s14] =	stream.indirect.scatter.add.f32 [tilespmem:s4], [sflag:$0x2], $0x80, s18, s6, $0xb8;
	[tilespmem:$0x1F5E0] =	vst v63  }
0x8b: {  	_ =	swait.ge [sflag:s3], $0x3E80  }
0x8c: {  	[sflag:s3] =	ssyncset.done $0x0  }
0x8d: {  	[sflag:s3] =	ssyncadd.s32 $0xFFFFC180  }
0x8e: {  	[spmem:s15] =	stream.indirect.scatter.add.f32 [tilespmem:s5], [sflag:$0x2], $0x10, s18, s6, $0xb8;
	[tilespmem:$0x1F5E0] =	vst v63  }
0x8f: {  	_ =	swait.ge [sflag:s3], $0x7D0  }
0x90: {  	[sflag:s3] =	ssyncset.done $0x0  }
0x91: {  	[sflag:s3] =	ssyncadd.s32 $0xFFFFF830  }
0x92: {  	[bflag:$0x0] =	sbarrier.arrive $0xFFFF  }
0x93: {  	[tilespmem:s4], [sflag:$0x2] =	stream.linear.gather [spmem:s20], $0x3E80, $0x38;
	[tilespmem:$0x1F5E0] =	vst v63  }
0x94: {  	_ =	swait.ge [sflag:s3], $0x3E80  }
0x95: {  	[sflag:s3] =	ssyncset.done $0x0  }
0x96: {  	s10 =	rddreg [dreg:$0x6];
	[sflag:s3] =	ssyncadd.s32 $0xFFFFC180  }
0x97: {  	[hbm4b:s10+s1] =	stream.linear.scatter [tilespmem:s4], [sflag:$0x2], $0x3E80, $0x38;
	[tilespmem:$0x1F5E0] =	vst v63  }
0x98: {  	_ =	swait.ge [sflag:s3], $0x3E80  }
0x99: {  	[sflag:s3] =	ssyncset.done $0x0  }
0x9a: {  	[sflag:s3] =	ssyncadd.s32 $0xFFFFC180  }
0x9b: {  	[tilespmem:s5], [sflag:$0x2] =	stream.linear.gather [spmem:s0], $0x7D0, $0x38;
	[tilespmem:$0x1F5E0] =	vst v63  }
0x9c: {  	_ =	swait.ge [sflag:s3], $0x7D0  }
0x9d: {  	[sflag:s3] =	ssyncset.done $0x0  }
0x9e: {  	s11 =	rddreg [dreg:$0x7];
	[sflag:s3] =	ssyncadd.s32 $0xFFFFF830  }
0x9f: {  	[hbm4b:s11+s1] =	stream.linear.scatter [tilespmem:s5], [sflag:$0x2], $0x7D0, $0x38;
	[tilespmem:$0x1F5E0] =	vst v63  }
0xa0: {  	_ =	swait.ge [sflag:s3], $0x7D0  }
0xa1: {  	[sflag:s3] =	ssyncset.done $0x0  }
0xa2: {  	[sflag:s3] =	ssyncadd.s32 $0xFFFFF830  }
0xa3: {  	[tilespmem:s4], [sflag:$0x2] =	stream.linear.gather [spmem:s24], $0x3E80, $0x38;
	[tilespmem:$0x1F5E0] =	vst v63  }
0xa4: {  	_ =	swait.ge [sflag:s3], $0x3E80  }
0xa5: {  	[sflag:s3] =	ssyncset.done $0x0  }
0xa6: {  	s16 =	rddreg [dreg:$0x8];
	[sflag:s3] =	ssyncadd.s32 $0xFFFFC180  }
0xa7: {  	[hbm4b:s16+s1] =	stream.linear.scatter [tilespmem:s4], [sflag:$0x2], $0x3E80, $0x38;
	[tilespmem:$0x1F5E0] =	vst v63  }
0xa8: {  	_ =	swait.ge [sflag:s3], $0x3E80  }
0xa9: {  	[sflag:s3] =	ssyncset.done $0x0  }
0xaa: {  	[sflag:s3] =	ssyncadd.s32 $0xFFFFC180  }
0xab: {  	[tilespmem:s5], [sflag:$0x2] =	stream.linear.gather [spmem:s25], $0x7D0, $0x38;
	[tilespmem:$0x1F5E0] =	vst v63  }
0xac: {  	_ =	swait.ge [sflag:s3], $0x7D0  }
0xad: {  	[sflag:s3] =	ssyncset.done $0x0  }
0xae: {  	s17 =	rddreg [dreg:$0x9];
	[sflag:s3] =	ssyncadd.s32 $0xFFFFF830  }
0xaf: {  	[hbm4b:s17+s1] =	stream.linear.scatter [tilespmem:s5], [sflag:$0x2], $0x7D0, $0x38;
	[tilespmem:$0x1F5E0] =	vst v63  }
0xb0: {  	_ =	swait.ge [sflag:s3], $0x7D0  }
0xb1: {  	[sflag:s3] =	ssyncset.done $0x0  }
0xb2: {  	[sflag:s3] =	ssyncadd.s32 $0xFFFFF830  }
0xb3: {  	[tilespmem:s4], [sflag:$0x2] =	stream.linear.gather [spmem:s26], $0x3E80, $0x38;
	[tilespmem:$0x1F5E0] =	vst v63  }
0xb4: {  	_ =	swait.ge [sflag:s3], $0x3E80  }
0xb5: {  	[sflag:s3] =	ssyncset.done $0x0  }
0xb6: {  	s18 =	rddreg [dreg:$0xa];
	[sflag:s3] =	ssyncadd.s32 $0xFFFFC180  }
0xb7: {  	[hbm4b:s18+s1] =	stream.linear.scatter [tilespmem:s4], [sflag:$0x2], $0x3E80, $0x38;
	[tilespmem:$0x1F5E0] =	vst v63  }
0xb8: {  	_ =	swait.ge [sflag:s3], $0x3E80  }
0xb9: {  	[sflag:s3] =	ssyncset.done $0x0  }
0xba: {  	[sflag:s3] =	ssyncadd.s32 $0xFFFFC180  }
0xbb: {  	[tilespmem:s5], [sflag:$0x2] =	stream.linear.gather [spmem:s28], $0x7D0, $0x38;
	[tilespmem:$0x1F5E0] =	vst v63  }
0xbc: {  	_ =	swait.ge [sflag:s3], $0x7D0  }
0xbd: {  	[sflag:s3] =	ssyncset.done $0x0  }
0xbe: {  	s10 =	rddreg [dreg:$0xb];
	[sflag:s3] =	ssyncadd.s32 $0xFFFFF830  }
0xbf: {  	[hbm4b:s10+s1] =	stream.linear.scatter [tilespmem:s5], [sflag:$0x2], $0x7D0, $0x38;
	[tilespmem:$0x1F5E0] =	vst v63  }
0xc0: {  	_ =	swait.ge [sflag:s3], $0x7D0  }
0xc1: {  	[sflag:s3] =	ssyncset.done $0x0  }
0xc2: {  	[sflag:s3] =	ssyncadd.s32 $0xFFFFF830  }
0xc3: {  	[tilespmem:s4], [sflag:$0x2] =	stream.linear.gather [spmem:s29], $0x3E80, $0x38;
	[tilespmem:$0x1F5E0] =	vst v63  }
0xc4: {  	_ =	swait.ge [sflag:s3], $0x3E80  }
0xc5: {  	[sflag:s3] =	ssyncset.done $0x0  }
0xc6: {  	s11 =	rddreg [dreg:$0xc];
	[sflag:s3] =	ssyncadd.s32 $0xFFFFC180  }
0xc7: {  	[hbm4b:s11+s1] =	stream.linear.scatter [tilespmem:s4], [sflag:$0x2], $0x3E80, $0x38;
	[tilespmem:$0x1F5E0] =	vst v63  }
0xc8: {  	_ =	swait.ge [sflag:s3], $0x3E80  }
0xc9: {  	[sflag:s3] =	ssyncset.done $0x0  }
0xca: {  	[sflag:s3] =	ssyncadd.s32 $0xFFFFC180  }
0xcb: {  	[tilespmem:s5], [sflag:$0x2] =	stream.linear.gather [spmem:s30], $0x7D0, $0x38;
	[tilespmem:$0x1F5E0] =	vst v63  }
0xcc: {  	_ =	swait.ge [sflag:s3], $0x7D0  }
0xcd: {  	[sflag:s3] =	ssyncset.done $0x0  }
0xce: {  	s16 =	rddreg [dreg:$0xe];
	[sflag:s3] =	ssyncadd.s32 $0xFFFFF830  }
0xcf: {  	[hbm4b:s16+s1] =	stream.linear.scatter [tilespmem:s5], [sflag:$0x2], $0x7D0, $0x38;
	[tilespmem:$0x1F5E0] =	vst v63  }
0xd0: {  	_ =	swait.ge [sflag:s3], $0x7D0  }
0xd1: {  	[sflag:s3] =	ssyncset.done $0x0  }
0xd2: {  	[sflag:s3] =	ssyncadd.s32 $0xFFFFF830  }
0xd3: {  	[tilespmem:s4], [sflag:$0x2] =	stream.linear.gather [spmem:s31], $0x3E80, $0x38;
	[tilespmem:$0x1F5E0] =	vst v63  }
0xd4: {  	_ =	swait.ge [sflag:s3], $0x3E80  }
0xd5: {  	[sflag:s3] =	ssyncset.done $0x0  }
0xd6: {  	s17 =	rddreg [dreg:$0xd];
	[sflag:s3] =	ssyncadd.s32 $0xFFFFC180  }
0xd7: {  	[hbm4b:s17+s1] =	stream.linear.scatter [tilespmem:s4], [sflag:$0x2], $0x3E80, $0x38;
	[tilespmem:$0x1F5E0] =	vst v63  }
0xd8: {  	_ =	swait.ge [sflag:s3], $0x3E80  }
0xd9: {  	[sflag:s3] =	ssyncset.done $0x0  }
0xda: {  	[sflag:s3] =	ssyncadd.s32 $0xFFFFC180  }
0xdb: {  	[tilespmem:s5], [sflag:$0x2] =	stream.linear.gather [spmem:s13], $0x7D0, $0x38;
	[tilespmem:$0x1F5E0] =	vst v63  }
0xdc: {  	s8 =	sadd.s32 $0x1, s8;
	_ =	swait.ge [sflag:s3], $0x7D0  }
0xdd: {  	p0 =	sne.s32 s8, s21;
	[sflag:s3] =	ssyncset.done $0x0  }
.Ltmp1:
0xde: {  	s18 =	rddreg [dreg:$0xf];
	[sflag:s3] =	ssyncadd.s32 $0xFFFFF830;
	(pc) =	sbr.rel @p0 .LBB2_1-.Ltmp1, $4  }
0xdf: {  	[hbm4b:s18+s1] =	stream.linear.scatter [tilespmem:s5], [sflag:$0x2], $0x7D0, $0x38;
	[tilespmem:$0x1F5E0] =	vst v63  }
0xe0: {  	_ =	swait.ge [sflag:s3], $0x7D0  }
0xe1: {  	[sflag:s3] =	ssyncset.done $0x0  }
0xe2: {  	[sflag:s3] =	ssyncadd.s32 $0xFFFFF830  }
0xe3: {  	_ =	sfence.sel $0x180000  }
0xe4: {  	[bflag:$0x0] =	sbarrier.arrive $0xFFFF  }
0xe5: {  	_ =	strace $0x90000047  }
0xe6: {  	s0 =	stileid.u32;
	[bflag:$0x2] =	sbarrier.arrive $0xFFFF  }
0xe7: {  	p0 =	sne.s32 s0, $0x0;
	s0 =	rddreg [dreg:$0x5]  }
0xe8: {  	s0 =	sadd.s32 @!p0 $0x100000, s0  }
0xe9: {  	[sflag:s0] =	ssyncadd.tile.s32 @!p0 $0x1;
	_ =	shalt  }
.Lfunc_end2:
_tile_overlayer_lowered:
.L_overlay_start_2:
0xea: {  	(tag) =	ssettag $0x2  }
0xeb: {  	s0 =	rddreg [dreg:$0x0];
	s2 =	stileid.u32  }
0xec: {  	s1 =	rddreg [dreg:$0x1];
	p0 =	sne.s32 s2, $0x0  }
0xed: {  	s3 =	rddreg [dreg:$0x2];
	[bflag:$0x3] =	sbarrier.arrive $0xFFFF;
	s2 =	simm.s32 @!p0 $0x1C02  }
0xee: {  	[timem:s3], [sflag:s2] =	dma.local @!p0 [hbm:s0], s1  }
0xef: {  	s0 =	simm.s32 @!p0 $0x2  }
0xf0: {  	_ =	swait.ge @!p0 [sflag:s0], s1  }
0xf1: {  	s1 =	ssub.s32 @!p0 $0x0, s1;
	[sflag:s0] =	ssyncset.done @!p0 $0x0  }
0xf2: {  	[sflag:s0] =	ssyncadd.s32 @!p0 s1  }
0xf3: {  	[bflag:$0x3] =	sbarrier.arrive $0xFFFF  }
0xf4: {  	_ =	shalt  }

</sc_bundles>
